<compile_context>
chip_gen: v7x
topology: tpu7x:2x2x1
jax: 0.10.2.dev20260603
libtpu: 0.0.44.dev20260713+nightly
codegen_flags: <defaults>
</compile_context>

<pallas_src>
import functools

import jax
import jax.numpy as jnp
from jax import lax
from jax.experimental import pallas as pl
from jax.experimental.pallas import tpu as pltpu
from jax.experimental.pallas import tpu_sc as plsc

NUM_CORES = 2
NUM_SUBCORES = 16
NUM_WORKERS = NUM_CORES * NUM_SUBCORES

CB = 256
W_B = 512
L_BLK = 8
NBUF = 4
PAD_D = 128

MAX_NORM = 1.0
BT = 1024


def _sc_body(
    xt_hbm,
    table_hbm,
    inter_hbm,
    idx_v,
    rows_v,
    sem_idx,
    sem_g0,
    sem_g1,
    sem_g2,
    sem_g3,
    sem_w0,
    sem_w1,
    sem_w2,
    sem_w3,
):
    d_model = table_hbm.shape[1]
    n_l = xt_hbm.shape[0]
    n_chunks = n_l * 2
    chunks_per_ss = 2 * L_BLK
    n_ss = n_chunks // chunks_per_ss
    wid = lax.axis_index("s") * NUM_CORES + lax.axis_index("c")
    b0w = wid * W_B
    sem_g = (sem_g0, sem_g1, sem_g2, sem_g3)
    sem_w = (sem_w0, sem_w1, sem_w2, sem_w3)

    def params(s):
        ss = s // chunks_per_ss
        c = s % chunks_per_ss
        li = c // 2
        h = c % 2
        return ss, c, li, h, ss * L_BLK + li

    def fire_gather(s, j):
        ss, c, li, h, l = params(s)
        par = ss % 2
        for pb in (0, 1):
            @pl.when(par == pb)
            def _():
                for k in range(CB // 128):
                    pltpu.async_copy(
                        table_hbm.at[
                            idx_v.at[pb, li, pl.ds(h * CB + k * 128, 128)]
                        ],
                        rows_v.at[j, pl.ds(k * 128, 128)],
                        sem_g[j],
                    )

    def wait_gather(j):
        for k in range(CB // 128):
            pltpu.make_async_copy(
                table_hbm.at[idx_v.at[0, 0, pl.ds(k * 128, 128)]],
                rows_v.at[j, pl.ds(k * 128, 128)],
                sem_g[j],
            ).wait()

    def fire_idx(ss_next):
        par = ss_next % 2
        for pb in (0, 1):
            @pl.when(par == pb)
            def _():
                pltpu.async_copy(
                    xt_hbm.at[
                        pl.ds(ss_next * L_BLK, L_BLK), pl.ds(b0w, W_B)
                    ],
                    idx_v.at[pb],
                    sem_idx,
                )

    def wait_idx():
        pltpu.make_async_copy(
            xt_hbm.at[pl.ds(0, L_BLK), pl.ds(b0w, W_B)],
            idx_v.at[0],
            sem_idx,
        ).wait()

    def fire_writeback(s, j):
        ss, c, li, h, l = params(s)
        pltpu.async_copy(
            rows_v.at[j],
            inter_hbm.at[
                l, pl.ds(b0w + h * CB, CB), pl.ds(0, d_model)
            ],
            sem_w[j],
        )

    def wait_writeback(j):
        pltpu.make_async_copy(
            rows_v.at[j],
            inter_hbm.at[0, pl.ds(0, CB), pl.ds(0, d_model)],
            sem_w[j],
        ).wait()

    pltpu.sync_copy(
        xt_hbm.at[pl.ds(0, L_BLK), pl.ds(b0w, W_B)], idx_v.at[0]
    )
    fire_gather(0, 0)
    fire_gather(1, 1)

    def step_fn(k, carry):
        for j in range(NBUF):
            s = 4 * k + j
            ss, c, li, h, l = params(s)
            wait_gather(j)
            fire_writeback(s, j)

            if j == 2:
                @pl.when(jnp.logical_and(c == 6, ss + 1 < n_ss))
                def _():
                    fire_idx(ss + 1)

                @pl.when(jnp.logical_and(c == 14, ss + 1 < n_ss))
                def _():
                    wait_idx()

            j2 = (j + 2) % NBUF

            @pl.when(s + 2 < n_chunks)
            def _():
                @pl.when(s >= 2)
                def _():
                    wait_writeback(j2)

                fire_gather(s + 2, j2)
        return carry

    lax.fori_loop(0, n_chunks // NBUF, step_fn, 0)
    for j in range(NBUF):
        wait_writeback(j)


def _tc_body(in_ref, out_ref):
    blk = in_ref[0]
    t = blk.T[: out_ref.shape[1], :]
    norm = jnp.sum(jnp.abs(t), axis=0, keepdims=True)
    scale = jnp.where(
        norm > MAX_NORM, MAX_NORM / (norm + 1e-7), jnp.float32(1.0)
    )
    out_ref[0] = t * scale


def kernel(x, table):
    batch, hist = x.shape
    vocab, d_model = table.shape
    xt = x.T.astype(jnp.int32)

    mesh = plsc.VectorSubcoreMesh(
        core_axis_name="c",
        subcore_axis_name="s",
        num_cores=NUM_CORES,
        num_subcores=NUM_SUBCORES,
    )
    gather = functools.partial(
        pl.kernel,
        out_type=jax.ShapeDtypeStruct((hist, batch, PAD_D), jnp.float32),
        mesh=mesh,
        compiler_params=pltpu.CompilerParams(
            needs_layout_passes=False, use_tc_tiling_on_sc=False
        ),
        scratch_types=[
            pltpu.VMEM((2, L_BLK, W_B), jnp.int32),
            pltpu.VMEM((NBUF, CB, d_model), jnp.float32),
            pltpu.SemaphoreType.DMA,
            pltpu.SemaphoreType.DMA,
            pltpu.SemaphoreType.DMA,
            pltpu.SemaphoreType.DMA,
            pltpu.SemaphoreType.DMA,
            pltpu.SemaphoreType.DMA,
            pltpu.SemaphoreType.DMA,
            pltpu.SemaphoreType.DMA,
            pltpu.SemaphoreType.DMA,
        ],
    )(_sc_body)
    inter = gather(xt, table)

    out_t = pl.pallas_call(
        _tc_body,
        out_shape=jax.ShapeDtypeStruct((hist, d_model, batch), jnp.float32),
        grid=(hist, batch // BT),
        in_specs=[
            pl.BlockSpec((1, BT, PAD_D), lambda l, b: (l, b, 0)),
        ],
        out_specs=pl.BlockSpec((1, d_model, BT), lambda l, b: (l, 0, b)),
        compiler_params=pltpu.CompilerParams(
            dimension_semantics=("parallel", "parallel"),
        ),
    )(inter)
    return out_t.transpose(2, 0, 1)

# --- scband reference (transcript-rebuilt; emitter-appended) ---
"""Pipeline reference for scband-linear-model-86861418594448 (READ-ONLY COPY).

The authoritative reference and input builder live on the scoring server;
editing this copy changes nothing except your own understanding.
"""

import jax, jax.numpy as jnp
import numpy as np

VOCAB = 1000000
EMBED_DIM = 64
BATCH = 16384
HIST = 200
MAX_NORM = 1.0

def setup_inputs(seed: int = 0) -> dict:
    key = jax.random.key(seed)
    k1, k2 = jax.random.split(key)
    x = jax.random.randint(k1, (BATCH, HIST), 0, VOCAB)
    table = jax.random.normal(k2, (VOCAB, EMBED_DIM), dtype=jnp.float32)
    return {"x": x, "table": table}

def reference(x, table):
    # nn.Embedding(input_dim, output_dim, max_norm=1, norm_type=1):
    # gather rows, then renormalize any looked-up row whose L1 norm exceeds max_norm
    rows = jnp.take(table, x, axis=0)  # [B, L, D]
    norms = jnp.sum(jnp.abs(rows), axis=-1, keepdims=True)  # L1 norm (norm_type=1)
    scale = jnp.where(norms > MAX_NORM, MAX_NORM / (norms + 1e-7), 1.0)
    return rows * scale

if __name__ == "__main__":
    import jax
    _d = setup_inputs()
    print(jax.jit(kernel)(*tuple(_d.values())))

</pallas_src>

<mosaic_0001>
#map = affine_map<(d0, d1) -> (0, 0)>
#map1 = affine_map<(d0, d1) -> (0, 0, 0)>
module attributes {stable_mosaic.version = 14 : i64} {
  func.func @_sc_body(%arg0: i32, %arg1: i32, %arg2: memref<200x16384xi32, #tpu.memory_space<hbm>>, %arg3: memref<1000000x64xf32, #tpu.memory_space<hbm>>, %arg4: memref<200x16384x128xf32, #tpu.memory_space<hbm>>, %arg5: memref<2x8x512xi32, #tpu.memory_space<vmem>>, %arg6: memref<4x256x64xf32, #tpu.memory_space<vmem>>, %arg7: memref<!tpu.dma_semaphore, #tpu.memory_space<semaphore_mem>>, %arg8: memref<!tpu.dma_semaphore, #tpu.memory_space<semaphore_mem>>, %arg9: memref<!tpu.dma_semaphore, #tpu.memory_space<semaphore_mem>>, %arg10: memref<!tpu.dma_semaphore, #tpu.memory_space<semaphore_mem>>, %arg11: memref<!tpu.dma_semaphore, #tpu.memory_space<semaphore_mem>>, %arg12: memref<!tpu.dma_semaphore, #tpu.memory_space<semaphore_mem>>, %arg13: memref<!tpu.dma_semaphore, #tpu.memory_space<semaphore_mem>>, %arg14: memref<!tpu.dma_semaphore, #tpu.memory_space<semaphore_mem>>, %arg15: memref<!tpu.dma_semaphore, #tpu.memory_space<semaphore_mem>>) attributes {dimension_semantics = [#tpu.dimension_semantics<core_parallel>, #tpu.dimension_semantics<subcore_parallel>], iteration_bounds = array<i64: 2, 16>, scalar_prefetch = 0 : i64, scratch_operands = 11 : i64, tpu.core_type = #tpu.core_type<sc_vector_subcore>, window_params = [{transform_indices = #map}, {transform_indices = #map}, {transform_indices = #map1}]} {
    %mul3A = arith.constant 2 : i32
    %mul3A_0 = arith.muli %arg1, %mul3A : i32
    %add3A = arith.addi %mul3A_0, %arg0 : i32
    %mul3A_1 = arith.constant 512 : i32
    %mul3A_2 = arith.muli %add3A, %mul3A_1 : i32
    %run_scoped3A = arith.constant 0 : i32
    "tpu.region"() ({
      %run_scoped3A_130 = tpu.sem_alloc : memref<!tpu.dma_semaphore, #tpu.memory_space<semaphore_mem>>
      %dma_start3A_131 = arith.constant 0 : i32
      %dma_start3A_132 = arith.constant 0 : i32
      %dma_start3A_133 = tpu.memref_slice %arg5[%run_scoped3A, %dma_start3A_131, %dma_start3A_132] : memref<2x8x512xi32, #tpu.memory_space<vmem>> -> memref<1x8x512xi32, #tpu.memory_space<vmem>>
      %dma_start3A_134 = tpu.memref_squeeze %dma_start3A_133 : memref<1x8x512xi32, #tpu.memory_space<vmem>> -> memref<8x512xi32, #tpu.memory_space<vmem>>
      %dma_start3A_135 = arith.constant 0 : i32
      %dma_start3A_136 = tpu.memref_slice %arg2[%dma_start3A_135, %mul3A_2] : memref<200x16384xi32, #tpu.memory_space<hbm>> -> memref<8x512xi32, #tpu.memory_space<hbm>>
      %dma_start3A_137 = arith.constant 0 : i32
      %dma_start3A_138 = arith.constant 0 : i32
      %dma_start3A_139 = tpu.memref_slice %arg5[%run_scoped3A, %dma_start3A_137, %dma_start3A_138] : memref<2x8x512xi32, #tpu.memory_space<vmem>> -> memref<1x8x512xi32, #tpu.memory_space<vmem>>
      %dma_start3A_140 = tpu.memref_squeeze %dma_start3A_139 : memref<1x8x512xi32, #tpu.memory_space<vmem>> -> memref<8x512xi32, #tpu.memory_space<vmem>>
      %dma_start3A_141 = arith.constant 0 : i32
      %dma_start3A_142 = tpu.memref_slice %arg2[%dma_start3A_141, %mul3A_2] : memref<200x16384xi32, #tpu.memory_space<hbm>> -> memref<8x512xi32, #tpu.memory_space<hbm>>
      tpu.enqueue_dma source(%dma_start3A_142 : memref<8x512xi32, #tpu.memory_space<hbm>>) target(%dma_start3A_140 : memref<8x512xi32, #tpu.memory_space<vmem>>) target_semaphore(%run_scoped3A_130 : memref<!tpu.dma_semaphore, #tpu.memory_space<semaphore_mem>>)
      %dma_wait3A_143 = arith.constant 0 : i32
      %dma_wait3A_144 = arith.constant 0 : i32
      %dma_wait3A_145 = tpu.memref_slice %arg5[%run_scoped3A, %dma_wait3A_143, %dma_wait3A_144] : memref<2x8x512xi32, #tpu.memory_space<vmem>> -> memref<1x8x512xi32, #tpu.memory_space<vmem>>
      %dma_wait3A_146 = tpu.memref_squeeze %dma_wait3A_145 : memref<1x8x512xi32, #tpu.memory_space<vmem>> -> memref<8x512xi32, #tpu.memory_space<vmem>>
      %dma_wait3A_147 = arith.constant 0 : i32
      %dma_wait3A_148 = tpu.memref_slice %arg2[%dma_wait3A_147, %mul3A_2] : memref<200x16384xi32, #tpu.memory_space<hbm>> -> memref<8x512xi32, #tpu.memory_space<hbm>>
      %dma_wait3A_149 = arith.constant 0 : i32
      %dma_wait3A_150 = arith.constant 0 : i32
      %dma_wait3A_151 = tpu.memref_slice %arg5[%run_scoped3A, %dma_wait3A_149, %dma_wait3A_150] : memref<2x8x512xi32, #tpu.memory_space<vmem>> -> memref<1x8x512xi32, #tpu.memory_space<vmem>>
      %dma_wait3A_152 = tpu.memref_squeeze %dma_wait3A_151 : memref<1x8x512xi32, #tpu.memory_space<vmem>> -> memref<8x512xi32, #tpu.memory_space<vmem>>
      %dma_wait3A_153 = arith.constant 0 : i32
      %dma_wait3A_154 = tpu.memref_slice %arg2[%dma_wait3A_153, %mul3A_2] : memref<200x16384xi32, #tpu.memory_space<hbm>> -> memref<8x512xi32, #tpu.memory_space<hbm>>
      tpu.wait_dma2 semaphore(%run_scoped3A_130 : memref<!tpu.dma_semaphore, #tpu.memory_space<semaphore_mem>>) src(%dma_wait3A_154 : memref<8x512xi32, #tpu.memory_space<hbm>>) dst(%dma_wait3A_152 : memref<8x512xi32, #tpu.memory_space<vmem>>)
      tpu.yield
    }) : () -> ()
    %dma_start3A = arith.constant 0 : i32
    %dma_start3A_3 = arith.constant 0 : i32
    %dma_start3A_4 = arith.constant 0 : i32
    %dma_start3A_5 = arith.constant 0 : i32
    %dma_start3A_6 = arith.constant 0 : i32
    %dma_start3A_7 = tpu.memref_slice %arg6[%dma_start3A_4, %dma_start3A_5, %dma_start3A_6] : memref<4x256x64xf32, #tpu.memory_space<vmem>> -> memref<1x128x64xf32, #tpu.memory_space<vmem>>
    %dma_start3A_8 = tpu.memref_squeeze %dma_start3A_7 : memref<1x128x64xf32, #tpu.memory_space<vmem>> -> memref<128x64xf32, #tpu.memory_space<vmem>>
    %dma_start3A_9 = arith.constant 0 : i32
    %dma_start3A_10 = tpu.memref_slice %arg5[%dma_start3A, %dma_start3A_3, %dma_start3A_9] : memref<2x8x512xi32, #tpu.memory_space<vmem>> -> memref<1x1x128xi32, #tpu.memory_space<vmem>>
    %dma_start3A_11 = tpu.memref_squeeze %dma_start3A_10 : memref<1x1x128xi32, #tpu.memory_space<vmem>> -> memref<128xi32, #tpu.memory_space<vmem>>
    %dma_start3A_12 = arith.constant 0 : i32
    %dma_start3A_13 = arith.constant 0 : i32
    %dma_start3A_14 = tpu.memref_slice %arg3[%dma_start3A_12, %dma_start3A_13] : memref<1000000x64xf32, #tpu.memory_space<hbm>> -> memref<1000000x64xf32, #tpu.memory_space<hbm>>
    tpu.enqueue_indirect_dma source(%dma_start3A_14 : memref<1000000x64xf32, #tpu.memory_space<hbm>>) target(%dma_start3A_8 : memref<128x64xf32, #tpu.memory_space<vmem>>) offsets(%dma_start3A_11 : memref<128xi32, #tpu.memory_space<vmem>>) semaphore(%arg8 : memref<!tpu.dma_semaphore, #tpu.memory_space<semaphore_mem>>)
    %dma_start3A_15 = arith.constant 0 : i32
    %dma_start3A_16 = arith.constant 0 : i32
    %dma_start3A_17 = arith.constant 0 : i32
    %dma_start3A_18 = arith.constant 128 : i32
    %dma_start3A_19 = arith.constant 0 : i32
    %dma_start3A_20 = tpu.memref_slice %arg6[%dma_start3A_17, %dma_start3A_18, %dma_start3A_19] : memref<4x256x64xf32, #tpu.memory_space<vmem>> -> memref<1x128x64xf32, #tpu.memory_space<vmem>>
    %dma_start3A_21 = tpu.memref_squeeze %dma_start3A_20 : memref<1x128x64xf32, #tpu.memory_space<vmem>> -> memref<128x64xf32, #tpu.memory_space<vmem>>
    %dma_start3A_22 = arith.constant 128 : i32
    %dma_start3A_23 = tpu.memref_slice %arg5[%dma_start3A_15, %dma_start3A_16, %dma_start3A_22] : memref<2x8x512xi32, #tpu.memory_space<vmem>> -> memref<1x1x128xi32, #tpu.memory_space<vmem>>
    %dma_start3A_24 = tpu.memref_squeeze %dma_start3A_23 : memref<1x1x128xi32, #tpu.memory_space<vmem>> -> memref<128xi32, #tpu.memory_space<vmem>>
    %dma_start3A_25 = arith.constant 0 : i32
    %dma_start3A_26 = arith.constant 0 : i32
    %dma_start3A_27 = tpu.memref_slice %arg3[%dma_start3A_25, %dma_start3A_26] : memref<1000000x64xf32, #tpu.memory_space<hbm>> -> memref<1000000x64xf32, #tpu.memory_space<hbm>>
    tpu.enqueue_indirect_dma source(%dma_start3A_27 : memref<1000000x64xf32, #tpu.memory_space<hbm>>) target(%dma_start3A_21 : memref<128x64xf32, #tpu.memory_space<vmem>>) offsets(%dma_start3A_24 : memref<128xi32, #tpu.memory_space<vmem>>) semaphore(%arg8 : memref<!tpu.dma_semaphore, #tpu.memory_space<semaphore_mem>>)
    %dma_start3A_28 = arith.constant 0 : i32
    %dma_start3A_29 = arith.constant 0 : i32
    %dma_start3A_30 = arith.constant 1 : i32
    %dma_start3A_31 = arith.constant 0 : i32
    %dma_start3A_32 = arith.constant 0 : i32
    %dma_start3A_33 = tpu.memref_slice %arg6[%dma_start3A_30, %dma_start3A_31, %dma_start3A_32] : memref<4x256x64xf32, #tpu.memory_space<vmem>> -> memref<1x128x64xf32, #tpu.memory_space<vmem>>
    %dma_start3A_34 = tpu.memref_squeeze %dma_start3A_33 : memref<1x128x64xf32, #tpu.memory_space<vmem>> -> memref<128x64xf32, #tpu.memory_space<vmem>>
    %dma_start3A_35 = arith.constant 256 : i32
    %dma_start3A_36 = tpu.memref_slice %arg5[%dma_start3A_28, %dma_start3A_29, %dma_start3A_35] : memref<2x8x512xi32, #tpu.memory_space<vmem>> -> memref<1x1x128xi32, #tpu.memory_space<vmem>>
    %dma_start3A_37 = tpu.memref_squeeze %dma_start3A_36 : memref<1x1x128xi32, #tpu.memory_space<vmem>> -> memref<128xi32, #tpu.memory_space<vmem>>
    %dma_start3A_38 = arith.constant 0 : i32
    %dma_start3A_39 = arith.constant 0 : i32
    %dma_start3A_40 = tpu.memref_slice %arg3[%dma_start3A_38, %dma_start3A_39] : memref<1000000x64xf32, #tpu.memory_space<hbm>> -> memref<1000000x64xf32, #tpu.memory_space<hbm>>
    tpu.enqueue_indirect_dma source(%dma_start3A_40 : memref<1000000x64xf32, #tpu.memory_space<hbm>>) target(%dma_start3A_34 : memref<128x64xf32, #tpu.memory_space<vmem>>) offsets(%dma_start3A_37 : memref<128xi32, #tpu.memory_space<vmem>>) semaphore(%arg9 : memref<!tpu.dma_semaphore, #tpu.memory_space<semaphore_mem>>)
    %dma_start3A_41 = arith.constant 0 : i32
    %dma_start3A_42 = arith.constant 0 : i32
    %dma_start3A_43 = arith.constant 1 : i32
    %dma_start3A_44 = arith.constant 128 : i32
    %dma_start3A_45 = arith.constant 0 : i32
    %dma_start3A_46 = tpu.memref_slice %arg6[%dma_start3A_43, %dma_start3A_44, %dma_start3A_45] : memref<4x256x64xf32, #tpu.memory_space<vmem>> -> memref<1x128x64xf32, #tpu.memory_space<vmem>>
    %dma_start3A_47 = tpu.memref_squeeze %dma_start3A_46 : memref<1x128x64xf32, #tpu.memory_space<vmem>> -> memref<128x64xf32, #tpu.memory_space<vmem>>
    %dma_start3A_48 = arith.constant 384 : i32
    %dma_start3A_49 = tpu.memref_slice %arg5[%dma_start3A_41, %dma_start3A_42, %dma_start3A_48] : memref<2x8x512xi32, #tpu.memory_space<vmem>> -> memref<1x1x128xi32, #tpu.memory_space<vmem>>
    %dma_start3A_50 = tpu.memref_squeeze %dma_start3A_49 : memref<1x1x128xi32, #tpu.memory_space<vmem>> -> memref<128xi32, #tpu.memory_space<vmem>>
    %dma_start3A_51 = arith.constant 0 : i32
    %dma_start3A_52 = arith.constant 0 : i32
    %dma_start3A_53 = tpu.memref_slice %arg3[%dma_start3A_51, %dma_start3A_52] : memref<1000000x64xf32, #tpu.memory_space<hbm>> -> memref<1000000x64xf32, #tpu.memory_space<hbm>>
    tpu.enqueue_indirect_dma source(%dma_start3A_53 : memref<1000000x64xf32, #tpu.memory_space<hbm>>) target(%dma_start3A_47 : memref<128x64xf32, #tpu.memory_space<vmem>>) offsets(%dma_start3A_50 : memref<128xi32, #tpu.memory_space<vmem>>) semaphore(%arg9 : memref<!tpu.dma_semaphore, #tpu.memory_space<semaphore_mem>>)
    %scan3A = arith.constant 0 : i32
    %scan3A_54 = arith.constant 0 : i32
    %scan3A_55 = arith.constant 100 : i32
    %scan3A_56 = arith.addi %scan3A_54, %scan3A_55 : i32
    %scan3A_57 = arith.constant 1 : i32
    scf.for %scan3A_130 = %scan3A_54 to %scan3A_56 step %scan3A_57  : i32 {
      %mul3A_131 = arith.constant 4 : i32
      %mul3A_132 = arith.muli %mul3A_131, %scan3A_130 : i32
      %add3A_133 = arith.constant 0 : i32
      %add3A_134 = arith.addi %mul3A_132, %add3A_133 : i32
      %jit3A = arith.constant 16 : i32
      %div3A = arith.divsi %add3A_134, %jit3A : i32
      %sign3A = arith.constant 0 : i32
      %sign3A_135 = arith.cmpi sgt, %add3A_134, %sign3A : i32
      %sign3A_136 = arith.extui %sign3A_135 : i1 to i32
      %sign3A_137 = arith.constant 0 : i32
      %sign3A_138 = arith.cmpi slt, %add3A_134, %sign3A_137 : i32
      %sign3A_139 = arith.extui %sign3A_138 : i1 to i32
      %sign3A_140 = arith.subi %sign3A_136, %sign3A_139 : i32
      %sign3A_141 = arith.constant 0 : i32
      %sign3A_142 = arith.cmpi sgt, %jit3A, %sign3A_141 : i32
      %sign3A_143 = arith.extui %sign3A_142 : i1 to i32
      %sign3A_144 = arith.constant 0 : i32
      %sign3A_145 = arith.cmpi slt, %jit3A, %sign3A_144 : i32
      %sign3A_146 = arith.extui %sign3A_145 : i1 to i32
      %sign3A_147 = arith.subi %sign3A_143, %sign3A_146 : i32
      %ne3A = arith.cmpi ne, %sign3A_140, %sign3A_147 : i32
      %rem3A = arith.remsi %add3A_134, %jit3A : i32
      %ne3A_148 = arith.constant 0 : i32
      %ne3A_149 = arith.cmpi ne, %rem3A, %ne3A_148 : i32
      %and3A = arith.andi %ne3A, %ne3A_149 : i1
      %sub3A = arith.constant 1 : i32
      %sub3A_150 = arith.subi %div3A, %sub3A : i32
      %select_n3A = arith.select %and3A, %sub3A_150, %div3A : i32
      %jit3A_151 = arith.constant 16 : i32
      %eq3A = arith.constant 0 : i32
      %eq3A_152 = arith.cmpi eq, %jit3A_151, %eq3A : i32
      %jit3A_153 = arith.constant 1 : i32
      %select_n3A_154 = arith.select %eq3A_152, %jit3A_153, %jit3A_151 : i32
      %rem3A_155 = arith.remsi %add3A_134, %select_n3A_154 : i32
      %ne3A_156 = arith.constant 0 : i32
      %ne3A_157 = arith.cmpi ne, %rem3A_155, %ne3A_156 : i32
      %lt3A = arith.constant 0 : i32
      %lt3A_158 = arith.cmpi slt, %rem3A_155, %lt3A : i32
      %lt3A_159 = arith.constant 0 : i32
      %lt3A_160 = arith.cmpi slt, %select_n3A_154, %lt3A_159 : i32
      %ne3A_161 = arith.xori %lt3A_158, %lt3A_160 : i1
      %and3A_162 = arith.andi %ne3A_161, %ne3A_157 : i1
      %add3A_163 = arith.addi %rem3A_155, %select_n3A_154 : i32
      %select_n3A_164 = arith.select %and3A_162, %add3A_163, %rem3A_155 : i32
      %jit3A_165 = arith.constant 2 : i32
      %div3A_166 = arith.divsi %select_n3A_164, %jit3A_165 : i32
      %sign3A_167 = arith.constant 0 : i32
      %sign3A_168 = arith.cmpi sgt, %select_n3A_164, %sign3A_167 : i32
      %sign3A_169 = arith.extui %sign3A_168 : i1 to i32
      %sign3A_170 = arith.constant 0 : i32
      %sign3A_171 = arith.cmpi slt, %select_n3A_164, %sign3A_170 : i32
      %sign3A_172 = arith.extui %sign3A_171 : i1 to i32
      %sign3A_173 = arith.subi %sign3A_169, %sign3A_172 : i32
      %sign3A_174 = arith.constant 0 : i32
      %sign3A_175 = arith.cmpi sgt, %jit3A_165, %sign3A_174 : i32
      %sign3A_176 = arith.extui %sign3A_175 : i1 to i32
      %sign3A_177 = arith.constant 0 : i32
      %sign3A_178 = arith.cmpi slt, %jit3A_165, %sign3A_177 : i32
      %sign3A_179 = arith.extui %sign3A_178 : i1 to i32
      %sign3A_180 = arith.subi %sign3A_176, %sign3A_179 : i32
      %ne3A_181 = arith.cmpi ne, %sign3A_173, %sign3A_180 : i32
      %rem3A_182 = arith.remsi %select_n3A_164, %jit3A_165 : i32
      %ne3A_183 = arith.constant 0 : i32
      %ne3A_184 = arith.cmpi ne, %rem3A_182, %ne3A_183 : i32
      %and3A_185 = arith.andi %ne3A_181, %ne3A_184 : i1
      %sub3A_186 = arith.constant 1 : i32
      %sub3A_187 = arith.subi %div3A_166, %sub3A_186 : i32
      %select_n3A_188 = arith.select %and3A_185, %sub3A_187, %div3A_166 : i32
      %jit3A_189 = arith.constant 2 : i32
      %eq3A_190 = arith.constant 0 : i32
      %eq3A_191 = arith.cmpi eq, %jit3A_189, %eq3A_190 : i32
      %jit3A_192 = arith.constant 1 : i32
      %select_n3A_193 = arith.select %eq3A_191, %jit3A_192, %jit3A_189 : i32
      %rem3A_194 = arith.remsi %select_n3A_164, %select_n3A_193 : i32
      %ne3A_195 = arith.constant 0 : i32
      %ne3A_196 = arith.cmpi ne, %rem3A_194, %ne3A_195 : i32
      %lt3A_197 = arith.constant 0 : i32
      %lt3A_198 = arith.cmpi slt, %rem3A_194, %lt3A_197 : i32
      %lt3A_199 = arith.constant 0 : i32
      %lt3A_200 = arith.cmpi slt, %select_n3A_193, %lt3A_199 : i32
      %ne3A_201 = arith.xori %lt3A_198, %lt3A_200 : i1
      %and3A_202 = arith.andi %ne3A_201, %ne3A_196 : i1
      %add3A_203 = arith.addi %rem3A_194, %select_n3A_193 : i32
      %select_n3A_204 = arith.select %and3A_202, %add3A_203, %rem3A_194 : i32
      %mul3A_205 = arith.constant 8 : i32
      %mul3A_206 = arith.muli %select_n3A, %mul3A_205 : i32
      %add3A_207 = arith.addi %mul3A_206, %select_n3A_188 : i32
      %dma_wait3A_208 = arith.constant 0 : i32
      %dma_wait3A_209 = arith.constant 0 : i32
      %dma_wait3A_210 = arith.constant 0 : i32
      %dma_wait3A_211 = arith.constant 0 : i32
      %dma_wait3A_212 = arith.constant 0 : i32
      %dma_wait3A_213 = tpu.memref_slice %arg6[%dma_wait3A_210, %dma_wait3A_211, %dma_wait3A_212] : memref<4x256x64xf32, #tpu.memory_space<vmem>> -> memref<1x128x64xf32, #tpu.memory_space<vmem>>
      %dma_wait3A_214 = tpu.memref_squeeze %dma_wait3A_213 : memref<1x128x64xf32, #tpu.memory_space<vmem>> -> memref<128x64xf32, #tpu.memory_space<vmem>>
      %dma_wait3A_215 = arith.constant 0 : i32
      %dma_wait3A_216 = tpu.memref_slice %arg5[%dma_wait3A_208, %dma_wait3A_209, %dma_wait3A_215] : memref<2x8x512xi32, #tpu.memory_space<vmem>> -> memref<1x1x128xi32, #tpu.memory_space<vmem>>
      %dma_wait3A_217 = tpu.memref_squeeze %dma_wait3A_216 : memref<1x1x128xi32, #tpu.memory_space<vmem>> -> memref<128xi32, #tpu.memory_space<vmem>>
      %dma_wait3A_218 = arith.constant 0 : i32
      %dma_wait3A_219 = arith.constant 0 : i32
      %dma_wait3A_220 = tpu.memref_slice %arg3[%dma_wait3A_218, %dma_wait3A_219] : memref<1000000x64xf32, #tpu.memory_space<hbm>> -> memref<1000000x64xf32, #tpu.memory_space<hbm>>
      tpu.wait_indirect_dma semaphore(%arg8 : memref<!tpu.dma_semaphore, #tpu.memory_space<semaphore_mem>>) src(%dma_wait3A_220 : memref<1000000x64xf32, #tpu.memory_space<hbm>>) dst(%dma_wait3A_214 : memref<128x64xf32, #tpu.memory_space<vmem>>)
      %dma_wait3A_221 = arith.constant 0 : i32
      %dma_wait3A_222 = arith.constant 0 : i32
      %dma_wait3A_223 = arith.constant 0 : i32
      %dma_wait3A_224 = arith.constant 128 : i32
      %dma_wait3A_225 = arith.constant 0 : i32
      %dma_wait3A_226 = tpu.memref_slice %arg6[%dma_wait3A_223, %dma_wait3A_224, %dma_wait3A_225] : memref<4x256x64xf32, #tpu.memory_space<vmem>> -> memref<1x128x64xf32, #tpu.memory_space<vmem>>
      %dma_wait3A_227 = tpu.memref_squeeze %dma_wait3A_226 : memref<1x128x64xf32, #tpu.memory_space<vmem>> -> memref<128x64xf32, #tpu.memory_space<vmem>>
      %dma_wait3A_228 = arith.constant 128 : i32
      %dma_wait3A_229 = tpu.memref_slice %arg5[%dma_wait3A_221, %dma_wait3A_222, %dma_wait3A_228] : memref<2x8x512xi32, #tpu.memory_space<vmem>> -> memref<1x1x128xi32, #tpu.memory_space<vmem>>
      %dma_wait3A_230 = tpu.memref_squeeze %dma_wait3A_229 : memref<1x1x128xi32, #tpu.memory_space<vmem>> -> memref<128xi32, #tpu.memory_space<vmem>>
      %dma_wait3A_231 = arith.constant 0 : i32
      %dma_wait3A_232 = arith.constant 0 : i32
      %dma_wait3A_233 = tpu.memref_slice %arg3[%dma_wait3A_231, %dma_wait3A_232] : memref<1000000x64xf32, #tpu.memory_space<hbm>> -> memref<1000000x64xf32, #tpu.memory_space<hbm>>
      tpu.wait_indirect_dma semaphore(%arg8 : memref<!tpu.dma_semaphore, #tpu.memory_space<semaphore_mem>>) src(%dma_wait3A_233 : memref<1000000x64xf32, #tpu.memory_space<hbm>>) dst(%dma_wait3A_227 : memref<128x64xf32, #tpu.memory_space<vmem>>)
      %jit3A_234 = arith.constant 16 : i32
      %div3A_235 = arith.divsi %add3A_134, %jit3A_234 : i32
      %sign3A_236 = arith.constant 0 : i32
      %sign3A_237 = arith.cmpi sgt, %add3A_134, %sign3A_236 : i32
      %sign3A_238 = arith.extui %sign3A_237 : i1 to i32
      %sign3A_239 = arith.constant 0 : i32
      %sign3A_240 = arith.cmpi slt, %add3A_134, %sign3A_239 : i32
      %sign3A_241 = arith.extui %sign3A_240 : i1 to i32
      %sign3A_242 = arith.subi %sign3A_238, %sign3A_241 : i32
      %sign3A_243 = arith.constant 0 : i32
      %sign3A_244 = arith.cmpi sgt, %jit3A_234, %sign3A_243 : i32
      %sign3A_245 = arith.extui %sign3A_244 : i1 to i32
      %sign3A_246 = arith.constant 0 : i32
      %sign3A_247 = arith.cmpi slt, %jit3A_234, %sign3A_246 : i32
      %sign3A_248 = arith.extui %sign3A_247 : i1 to i32
      %sign3A_249 = arith.subi %sign3A_245, %sign3A_248 : i32
      %ne3A_250 = arith.cmpi ne, %sign3A_242, %sign3A_249 : i32
      %rem3A_251 = arith.remsi %add3A_134, %jit3A_234 : i32
      %ne3A_252 = arith.constant 0 : i32
      %ne3A_253 = arith.cmpi ne, %rem3A_251, %ne3A_252 : i32
      %and3A_254 = arith.andi %ne3A_250, %ne3A_253 : i1
      %sub3A_255 = arith.constant 1 : i32
      %sub3A_256 = arith.subi %div3A_235, %sub3A_255 : i32
      %select_n3A_257 = arith.select %and3A_254, %sub3A_256, %div3A_235 : i32
      %jit3A_258 = arith.constant 16 : i32
      %eq3A_259 = arith.constant 0 : i32
      %eq3A_260 = arith.cmpi eq, %jit3A_258, %eq3A_259 : i32
      %jit3A_261 = arith.constant 1 : i32
      %select_n3A_262 = arith.select %eq3A_260, %jit3A_261, %jit3A_258 : i32
      %rem3A_263 = arith.remsi %add3A_134, %select_n3A_262 : i32
      %ne3A_264 = arith.constant 0 : i32
      %ne3A_265 = arith.cmpi ne, %rem3A_263, %ne3A_264 : i32
      %lt3A_266 = arith.constant 0 : i32
      %lt3A_267 = arith.cmpi slt, %rem3A_263, %lt3A_266 : i32
      %lt3A_268 = arith.constant 0 : i32
      %lt3A_269 = arith.cmpi slt, %select_n3A_262, %lt3A_268 : i32
      %ne3A_270 = arith.xori %lt3A_267, %lt3A_269 : i1
      %and3A_271 = arith.andi %ne3A_270, %ne3A_265 : i1
      %add3A_272 = arith.addi %rem3A_263, %select_n3A_262 : i32
      %select_n3A_273 = arith.select %and3A_271, %add3A_272, %rem3A_263 : i32
      %jit3A_274 = arith.constant 2 : i32
      %div3A_275 = arith.divsi %select_n3A_273, %jit3A_274 : i32
      %sign3A_276 = arith.constant 0 : i32
      %sign3A_277 = arith.cmpi sgt, %select_n3A_273, %sign3A_276 : i32
      %sign3A_278 = arith.extui %sign3A_277 : i1 to i32
      %sign3A_279 = arith.constant 0 : i32
      %sign3A_280 = arith.cmpi slt, %select_n3A_273, %sign3A_279 : i32
      %sign3A_281 = arith.extui %sign3A_280 : i1 to i32
      %sign3A_282 = arith.subi %sign3A_278, %sign3A_281 : i32
      %sign3A_283 = arith.constant 0 : i32
      %sign3A_284 = arith.cmpi sgt, %jit3A_274, %sign3A_283 : i32
      %sign3A_285 = arith.extui %sign3A_284 : i1 to i32
      %sign3A_286 = arith.constant 0 : i32
      %sign3A_287 = arith.cmpi slt, %jit3A_274, %sign3A_286 : i32
      %sign3A_288 = arith.extui %sign3A_287 : i1 to i32
      %sign3A_289 = arith.subi %sign3A_285, %sign3A_288 : i32
      %ne3A_290 = arith.cmpi ne, %sign3A_282, %sign3A_289 : i32
      %rem3A_291 = arith.remsi %select_n3A_273, %jit3A_274 : i32
      %ne3A_292 = arith.constant 0 : i32
      %ne3A_293 = arith.cmpi ne, %rem3A_291, %ne3A_292 : i32
      %and3A_294 = arith.andi %ne3A_290, %ne3A_293 : i1
      %sub3A_295 = arith.constant 1 : i32
      %sub3A_296 = arith.subi %div3A_275, %sub3A_295 : i32
      %select_n3A_297 = arith.select %and3A_294, %sub3A_296, %div3A_275 : i32
      %jit3A_298 = arith.constant 2 : i32
      %eq3A_299 = arith.constant 0 : i32
      %eq3A_300 = arith.cmpi eq, %jit3A_298, %eq3A_299 : i32
      %jit3A_301 = arith.constant 1 : i32
      %select_n3A_302 = arith.select %eq3A_300, %jit3A_301, %jit3A_298 : i32
      %rem3A_303 = arith.remsi %select_n3A_273, %select_n3A_302 : i32
      %ne3A_304 = arith.constant 0 : i32
      %ne3A_305 = arith.cmpi ne, %rem3A_303, %ne3A_304 : i32
      %lt3A_306 = arith.constant 0 : i32
      %lt3A_307 = arith.cmpi slt, %rem3A_303, %lt3A_306 : i32
      %lt3A_308 = arith.constant 0 : i32
      %lt3A_309 = arith.cmpi slt, %select_n3A_302, %lt3A_308 : i32
      %ne3A_310 = arith.xori %lt3A_307, %lt3A_309 : i1
      %and3A_311 = arith.andi %ne3A_310, %ne3A_305 : i1
      %add3A_312 = arith.addi %rem3A_303, %select_n3A_302 : i32
      %select_n3A_313 = arith.select %and3A_311, %add3A_312, %rem3A_303 : i32
      %mul3A_314 = arith.constant 8 : i32
      %mul3A_315 = arith.muli %select_n3A_257, %mul3A_314 : i32
      %add3A_316 = arith.addi %mul3A_315, %select_n3A_297 : i32
      %mul3A_317 = arith.constant 256 : i32
      %mul3A_318 = arith.muli %select_n3A_313, %mul3A_317 : i32
      %add3A_319 = arith.addi %mul3A_2, %mul3A_318 : i32
      %dma_start3A_320 = arith.constant 0 : i32
      %dma_start3A_321 = arith.constant 0 : i32
      %dma_start3A_322 = arith.constant 0 : i32
      %dma_start3A_323 = tpu.memref_slice %arg6[%dma_start3A_320, %dma_start3A_321, %dma_start3A_322] : memref<4x256x64xf32, #tpu.memory_space<vmem>> -> memref<1x256x64xf32, #tpu.memory_space<vmem>>
      %dma_start3A_324 = tpu.memref_squeeze %dma_start3A_323 : memref<1x256x64xf32, #tpu.memory_space<vmem>> -> memref<256x64xf32, #tpu.memory_space<vmem>>
      %dma_start3A_325 = arith.constant 0 : i32
      %dma_start3A_326 = tpu.memref_slice %arg4[%add3A_316, %add3A_319, %dma_start3A_325] : memref<200x16384x128xf32, #tpu.memory_space<hbm>> -> memref<1x256x64xf32, #tpu.memory_space<hbm>>
      %dma_start3A_327 = tpu.memref_squeeze %dma_start3A_326 : memref<1x256x64xf32, #tpu.memory_space<hbm>> -> memref<256x64xf32, #tpu.memory_space<hbm>>
      %dma_start3A_328 = arith.constant 0 : i32
      %dma_start3A_329 = tpu.memref_slice %arg4[%add3A_316, %add3A_319, %dma_start3A_328] : memref<200x16384x128xf32, #tpu.memory_space<hbm>> -> memref<1x256x64xf32, #tpu.memory_space<hbm>>
      %dma_start3A_330 = tpu.memref_squeeze %dma_start3A_329 : memref<1x256x64xf32, #tpu.memory_space<hbm>> -> memref<256x64xf32, #tpu.memory_space<hbm>>
      %dma_start3A_331 = arith.constant 0 : i32
      %dma_start3A_332 = arith.constant 0 : i32
      %dma_start3A_333 = tpu.memref_slice %arg6[%dma_start3A_320, %dma_start3A_331, %dma_start3A_332] : memref<4x256x64xf32, #tpu.memory_space<vmem>> -> memref<1x256x64xf32, #tpu.memory_space<vmem>>
      %dma_start3A_334 = tpu.memref_squeeze %dma_start3A_333 : memref<1x256x64xf32, #tpu.memory_space<vmem>> -> memref<256x64xf32, #tpu.memory_space<vmem>>
      tpu.enqueue_dma source(%dma_start3A_334 : memref<256x64xf32, #tpu.memory_space<vmem>>) target(%dma_start3A_330 : memref<256x64xf32, #tpu.memory_space<hbm>>) target_semaphore(%arg12 : memref<!tpu.dma_semaphore, #tpu.memory_space<semaphore_mem>>)
      %add3A_335 = arith.constant 2 : i32
      %add3A_336 = arith.addi %add3A_134, %add3A_335 : i32
      %lt3A_337 = arith.constant 400 : i32
      %lt3A_338 = arith.cmpi slt, %add3A_336, %lt3A_337 : i32
      %convert_element_type3A = arith.extui %lt3A_338 : i1 to i32
      %cond3A = arith.constant 0 : i32
      %cond3A_339 = arith.cmpi ne, %convert_element_type3A, %cond3A : i32
      scf.if %cond3A_339 {
        %ge3A = arith.constant 2 : i32
        %ge3A_1023 = arith.cmpi sge, %add3A_134, %ge3A : i32
        %convert_element_type3A_1024 = arith.extui %ge3A_1023 : i1 to i32
        %cond3A_1025 = arith.constant 0 : i32
        %cond3A_1026 = arith.cmpi ne, %convert_element_type3A_1024, %cond3A_1025 : i32
        scf.if %cond3A_1026 {
          %dma_wait3A_1138 = arith.constant 2 : i32
          %dma_wait3A_1139 = arith.constant 0 : i32
          %dma_wait3A_1140 = arith.constant 0 : i32
          %dma_wait3A_1141 = arith.constant 0 : i32
          %dma_wait3A_1142 = tpu.memref_slice %arg6[%dma_wait3A_1138, %dma_wait3A_1140, %dma_wait3A_1141] : memref<4x256x64xf32, #tpu.memory_space<vmem>> -> memref<1x256x64xf32, #tpu.memory_space<vmem>>
          %dma_wait3A_1143 = tpu.memref_squeeze %dma_wait3A_1142 : memref<1x256x64xf32, #tpu.memory_space<vmem>> -> memref<256x64xf32, #tpu.memory_space<vmem>>
          %dma_wait3A_1144 = arith.constant 0 : i32
          %dma_wait3A_1145 = arith.constant 0 : i32
          %dma_wait3A_1146 = tpu.memref_slice %arg4[%dma_wait3A_1139, %dma_wait3A_1144, %dma_wait3A_1145] : memref<200x16384x128xf32, #tpu.memory_space<hbm>> -> memref<1x256x64xf32, #tpu.memory_space<hbm>>
          %dma_wait3A_1147 = tpu.memref_squeeze %dma_wait3A_1146 : memref<1x256x64xf32, #tpu.memory_space<hbm>> -> memref<256x64xf32, #tpu.memory_space<hbm>>
          %dma_wait3A_1148 = arith.constant 0 : i32
          %dma_wait3A_1149 = arith.constant 0 : i32
          %dma_wait3A_1150 = tpu.memref_slice %arg4[%dma_wait3A_1139, %dma_wait3A_1148, %dma_wait3A_1149] : memref<200x16384x128xf32, #tpu.memory_space<hbm>> -> memref<1x256x64xf32, #tpu.memory_space<hbm>>
          %dma_wait3A_1151 = tpu.memref_squeeze %dma_wait3A_1150 : memref<1x256x64xf32, #tpu.memory_space<hbm>> -> memref<256x64xf32, #tpu.memory_space<hbm>>
          %dma_wait3A_1152 = arith.constant 0 : i32
          %dma_wait3A_1153 = arith.constant 0 : i32
          %dma_wait3A_1154 = tpu.memref_slice %arg6[%dma_wait3A_1138, %dma_wait3A_1152, %dma_wait3A_1153] : memref<4x256x64xf32, #tpu.memory_space<vmem>> -> memref<1x256x64xf32, #tpu.memory_space<vmem>>
          %dma_wait3A_1155 = tpu.memref_squeeze %dma_wait3A_1154 : memref<1x256x64xf32, #tpu.memory_space<vmem>> -> memref<256x64xf32, #tpu.memory_space<vmem>>
          tpu.wait_dma2 semaphore(%arg14 : memref<!tpu.dma_semaphore, #tpu.memory_space<semaphore_mem>>) src(%dma_wait3A_1155 : memref<256x64xf32, #tpu.memory_space<vmem>>) dst(%dma_wait3A_1151 : memref<256x64xf32, #tpu.memory_space<hbm>>)
        } else {
        }
        %add3A_1027 = arith.constant 2 : i32
        %add3A_1028 = arith.addi %add3A_134, %add3A_1027 : i32
        %jit3A_1029 = arith.constant 16 : i32
        %div3A_1030 = arith.divsi %add3A_1028, %jit3A_1029 : i32
        %sign3A_1031 = arith.constant 0 : i32
        %sign3A_1032 = arith.cmpi sgt, %add3A_1028, %sign3A_1031 : i32
        %sign3A_1033 = arith.extui %sign3A_1032 : i1 to i32
        %sign3A_1034 = arith.constant 0 : i32
        %sign3A_1035 = arith.cmpi slt, %add3A_1028, %sign3A_1034 : i32
        %sign3A_1036 = arith.extui %sign3A_1035 : i1 to i32
        %sign3A_1037 = arith.subi %sign3A_1033, %sign3A_1036 : i32
        %sign3A_1038 = arith.constant 0 : i32
        %sign3A_1039 = arith.cmpi sgt, %jit3A_1029, %sign3A_1038 : i32
        %sign3A_1040 = arith.extui %sign3A_1039 : i1 to i32
        %sign3A_1041 = arith.constant 0 : i32
        %sign3A_1042 = arith.cmpi slt, %jit3A_1029, %sign3A_1041 : i32
        %sign3A_1043 = arith.extui %sign3A_1042 : i1 to i32
        %sign3A_1044 = arith.subi %sign3A_1040, %sign3A_1043 : i32
        %ne3A_1045 = arith.cmpi ne, %sign3A_1037, %sign3A_1044 : i32
        %rem3A_1046 = arith.remsi %add3A_1028, %jit3A_1029 : i32
        %ne3A_1047 = arith.constant 0 : i32
        %ne3A_1048 = arith.cmpi ne, %rem3A_1046, %ne3A_1047 : i32
        %and3A_1049 = arith.andi %ne3A_1045, %ne3A_1048 : i1
        %sub3A_1050 = arith.constant 1 : i32
        %sub3A_1051 = arith.subi %div3A_1030, %sub3A_1050 : i32
        %select_n3A_1052 = arith.select %and3A_1049, %sub3A_1051, %div3A_1030 : i32
        %jit3A_1053 = arith.constant 16 : i32
        %eq3A_1054 = arith.constant 0 : i32
        %eq3A_1055 = arith.cmpi eq, %jit3A_1053, %eq3A_1054 : i32
        %jit3A_1056 = arith.constant 1 : i32
        %select_n3A_1057 = arith.select %eq3A_1055, %jit3A_1056, %jit3A_1053 : i32
        %rem3A_1058 = arith.remsi %add3A_1028, %select_n3A_1057 : i32
        %ne3A_1059 = arith.constant 0 : i32
        %ne3A_1060 = arith.cmpi ne, %rem3A_1058, %ne3A_1059 : i32
        %lt3A_1061 = arith.constant 0 : i32
        %lt3A_1062 = arith.cmpi slt, %rem3A_1058, %lt3A_1061 : i32
        %lt3A_1063 = arith.constant 0 : i32
        %lt3A_1064 = arith.cmpi slt, %select_n3A_1057, %lt3A_1063 : i32
        %ne3A_1065 = arith.xori %lt3A_1062, %lt3A_1064 : i1
        %and3A_1066 = arith.andi %ne3A_1065, %ne3A_1060 : i1
        %add3A_1067 = arith.addi %rem3A_1058, %select_n3A_1057 : i32
        %select_n3A_1068 = arith.select %and3A_1066, %add3A_1067, %rem3A_1058 : i32
        %jit3A_1069 = arith.constant 2 : i32
        %div3A_1070 = arith.divsi %select_n3A_1068, %jit3A_1069 : i32
        %sign3A_1071 = arith.constant 0 : i32
        %sign3A_1072 = arith.cmpi sgt, %select_n3A_1068, %sign3A_1071 : i32
        %sign3A_1073 = arith.extui %sign3A_1072 : i1 to i32
        %sign3A_1074 = arith.constant 0 : i32
        %sign3A_1075 = arith.cmpi slt, %select_n3A_1068, %sign3A_1074 : i32
        %sign3A_1076 = arith.extui %sign3A_1075 : i1 to i32
        %sign3A_1077 = arith.subi %sign3A_1073, %sign3A_1076 : i32
        %sign3A_1078 = arith.constant 0 : i32
        %sign3A_1079 = arith.cmpi sgt, %jit3A_1069, %sign3A_1078 : i32
        %sign3A_1080 = arith.extui %sign3A_1079 : i1 to i32
        %sign3A_1081 = arith.constant 0 : i32
        %sign3A_1082 = arith.cmpi slt, %jit3A_1069, %sign3A_1081 : i32
        %sign3A_1083 = arith.extui %sign3A_1082 : i1 to i32
        %sign3A_1084 = arith.subi %sign3A_1080, %sign3A_1083 : i32
        %ne3A_1085 = arith.cmpi ne, %sign3A_1077, %sign3A_1084 : i32
        %rem3A_1086 = arith.remsi %select_n3A_1068, %jit3A_1069 : i32
        %ne3A_1087 = arith.constant 0 : i32
        %ne3A_1088 = arith.cmpi ne, %rem3A_1086, %ne3A_1087 : i32
        %and3A_1089 = arith.andi %ne3A_1085, %ne3A_1088 : i1
        %sub3A_1090 = arith.constant 1 : i32
        %sub3A_1091 = arith.subi %div3A_1070, %sub3A_1090 : i32
        %select_n3A_1092 = arith.select %and3A_1089, %sub3A_1091, %div3A_1070 : i32
        %jit3A_1093 = arith.constant 2 : i32
        %eq3A_1094 = arith.constant 0 : i32
        %eq3A_1095 = arith.cmpi eq, %jit3A_1093, %eq3A_1094 : i32
        %jit3A_1096 = arith.constant 1 : i32
        %select_n3A_1097 = arith.select %eq3A_1095, %jit3A_1096, %jit3A_1093 : i32
        %rem3A_1098 = arith.remsi %select_n3A_1068, %select_n3A_1097 : i32
        %ne3A_1099 = arith.constant 0 : i32
        %ne3A_1100 = arith.cmpi ne, %rem3A_1098, %ne3A_1099 : i32
        %lt3A_1101 = arith.constant 0 : i32
        %lt3A_1102 = arith.cmpi slt, %rem3A_1098, %lt3A_1101 : i32
        %lt3A_1103 = arith.constant 0 : i32
        %lt3A_1104 = arith.cmpi slt, %select_n3A_1097, %lt3A_1103 : i32
        %ne3A_1105 = arith.xori %lt3A_1102, %lt3A_1104 : i1
        %and3A_1106 = arith.andi %ne3A_1105, %ne3A_1100 : i1
        %add3A_1107 = arith.addi %rem3A_1098, %select_n3A_1097 : i32
        %select_n3A_1108 = arith.select %and3A_1106, %add3A_1107, %rem3A_1098 : i32
        %mul3A_1109 = arith.constant 8 : i32
        %mul3A_1110 = arith.muli %select_n3A_1052, %mul3A_1109 : i32
        %add3A_1111 = arith.addi %mul3A_1110, %select_n3A_1092 : i32
        %jit3A_1112 = arith.constant 2 : i32
        %eq3A_1113 = arith.constant 0 : i32
        %eq3A_1114 = arith.cmpi eq, %jit3A_1112, %eq3A_1113 : i32
        %jit3A_1115 = arith.constant 1 : i32
        %select_n3A_1116 = arith.select %eq3A_1114, %jit3A_1115, %jit3A_1112 : i32
        %rem3A_1117 = arith.remsi %select_n3A_1052, %select_n3A_1116 : i32
        %ne3A_1118 = arith.constant 0 : i32
        %ne3A_1119 = arith.cmpi ne, %rem3A_1117, %ne3A_1118 : i32
        %lt3A_1120 = arith.constant 0 : i32
        %lt3A_1121 = arith.cmpi slt, %rem3A_1117, %lt3A_1120 : i32
        %lt3A_1122 = arith.constant 0 : i32
        %lt3A_1123 = arith.cmpi slt, %select_n3A_1116, %lt3A_1122 : i32
        %ne3A_1124 = arith.xori %lt3A_1121, %lt3A_1123 : i1
        %and3A_1125 = arith.andi %ne3A_1124, %ne3A_1119 : i1
        %add3A_1126 = arith.addi %rem3A_1117, %select_n3A_1116 : i32
        %select_n3A_1127 = arith.select %and3A_1125, %add3A_1126, %rem3A_1117 : i32
        %eq3A_1128 = arith.constant 0 : i32
        %eq3A_1129 = arith.cmpi eq, %select_n3A_1127, %eq3A_1128 : i32
        %convert_element_type3A_1130 = arith.extui %eq3A_1129 : i1 to i32
        %cond3A_1131 = arith.constant 0 : i32
        %cond3A_1132 = arith.cmpi ne, %convert_element_type3A_1130, %cond3A_1131 : i32
        scf.if %cond3A_1132 {
          %mul3A_1138 = arith.constant 256 : i32
          %mul3A_1139 = arith.muli %select_n3A_1108, %mul3A_1138 : i32
          %add3A_1140 = arith.constant 0 : i32
          %add3A_1141 = arith.addi %mul3A_1139, %add3A_1140 : i32
          %dma_start3A_1142 = arith.constant 0 : i32
          %dma_start3A_1143 = arith.constant 2 : i32
          %dma_start3A_1144 = arith.constant 0 : i32
          %dma_start3A_1145 = arith.constant 0 : i32
          %dma_start3A_1146 = tpu.memref_slice %arg6[%dma_start3A_1143, %dma_start3A_1144, %dma_start3A_1145] : memref<4x256x64xf32, #tpu.memory_space<vmem>> -> memref<1x128x64xf32, #tpu.memory_space<vmem>>
          %dma_start3A_1147 = tpu.memref_squeeze %dma_start3A_1146 : memref<1x128x64xf32, #tpu.memory_space<vmem>> -> memref<128x64xf32, #tpu.memory_space<vmem>>
          %dma_start3A_1148 = tpu.memref_slice %arg5[%dma_start3A_1142, %select_n3A_1092, %add3A_1141] : memref<2x8x512xi32, #tpu.memory_space<vmem>> -> memref<1x1x128xi32, #tpu.memory_space<vmem>>
          %dma_start3A_1149 = tpu.memref_squeeze %dma_start3A_1148 : memref<1x1x128xi32, #tpu.memory_space<vmem>> -> memref<128xi32, #tpu.memory_space<vmem>>
          %dma_start3A_1150 = arith.constant 0 : i32
          %dma_start3A_1151 = arith.constant 0 : i32
          %dma_start3A_1152 = tpu.memref_slice %arg3[%dma_start3A_1150, %dma_start3A_1151] : memref<1000000x64xf32, #tpu.memory_space<hbm>> -> memref<1000000x64xf32, #tpu.memory_space<hbm>>
          tpu.enqueue_indirect_dma source(%dma_start3A_1152 : memref<1000000x64xf32, #tpu.memory_space<hbm>>) target(%dma_start3A_1147 : memref<128x64xf32, #tpu.memory_space<vmem>>) offsets(%dma_start3A_1149 : memref<128xi32, #tpu.memory_space<vmem>>) semaphore(%arg10 : memref<!tpu.dma_semaphore, #tpu.memory_space<semaphore_mem>>)
          %mul3A_1153 = arith.constant 256 : i32
          %mul3A_1154 = arith.muli %select_n3A_1108, %mul3A_1153 : i32
          %add3A_1155 = arith.constant 128 : i32
          %add3A_1156 = arith.addi %mul3A_1154, %add3A_1155 : i32
          %dma_start3A_1157 = arith.constant 0 : i32
          %dma_start3A_1158 = arith.constant 2 : i32
          %dma_start3A_1159 = arith.constant 128 : i32
          %dma_start3A_1160 = arith.constant 0 : i32
          %dma_start3A_1161 = tpu.memref_slice %arg6[%dma_start3A_1158, %dma_start3A_1159, %dma_start3A_1160] : memref<4x256x64xf32, #tpu.memory_space<vmem>> -> memref<1x128x64xf32, #tpu.memory_space<vmem>>
          %dma_start3A_1162 = tpu.memref_squeeze %dma_start3A_1161 : memref<1x128x64xf32, #tpu.memory_space<vmem>> -> memref<128x64xf32, #tpu.memory_space<vmem>>
          %dma_start3A_1163 = tpu.memref_slice %arg5[%dma_start3A_1157, %select_n3A_1092, %add3A_1156] : memref<2x8x512xi32, #tpu.memory_space<vmem>> -> memref<1x1x128xi32, #tpu.memory_space<vmem>>
          %dma_start3A_1164 = tpu.memref_squeeze %dma_start3A_1163 : memref<1x1x128xi32, #tpu.memory_space<vmem>> -> memref<128xi32, #tpu.memory_space<vmem>>
          %dma_start3A_1165 = arith.constant 0 : i32
          %dma_start3A_1166 = arith.constant 0 : i32
          %dma_start3A_1167 = tpu.memref_slice %arg3[%dma_start3A_1165, %dma_start3A_1166] : memref<1000000x64xf32, #tpu.memory_space<hbm>> -> memref<1000000x64xf32, #tpu.memory_space<hbm>>
          tpu.enqueue_indirect_dma source(%dma_start3A_1167 : memref<1000000x64xf32, #tpu.memory_space<hbm>>) target(%dma_start3A_1162 : memref<128x64xf32, #tpu.memory_space<vmem>>) offsets(%dma_start3A_1164 : memref<128xi32, #tpu.memory_space<vmem>>) semaphore(%arg10 : memref<!tpu.dma_semaphore, #tpu.memory_space<semaphore_mem>>)
        } else {
        }
        %eq3A_1133 = arith.constant 1 : i32
        %eq3A_1134 = arith.cmpi eq, %select_n3A_1127, %eq3A_1133 : i32
        %convert_element_type3A_1135 = arith.extui %eq3A_1134 : i1 to i32
        %cond3A_1136 = arith.constant 0 : i32
        %cond3A_1137 = arith.cmpi ne, %convert_element_type3A_1135, %cond3A_1136 : i32
        scf.if %cond3A_1137 {
          %mul3A_1138 = arith.constant 256 : i32
          %mul3A_1139 = arith.muli %select_n3A_1108, %mul3A_1138 : i32
          %add3A_1140 = arith.constant 0 : i32
          %add3A_1141 = arith.addi %mul3A_1139, %add3A_1140 : i32
          %dma_start3A_1142 = arith.constant 1 : i32
          %dma_start3A_1143 = arith.constant 2 : i32
          %dma_start3A_1144 = arith.constant 0 : i32
          %dma_start3A_1145 = arith.constant 0 : i32
          %dma_start3A_1146 = tpu.memref_slice %arg6[%dma_start3A_1143, %dma_start3A_1144, %dma_start3A_1145] : memref<4x256x64xf32, #tpu.memory_space<vmem>> -> memref<1x128x64xf32, #tpu.memory_space<vmem>>
          %dma_start3A_1147 = tpu.memref_squeeze %dma_start3A_1146 : memref<1x128x64xf32, #tpu.memory_space<vmem>> -> memref<128x64xf32, #tpu.memory_space<vmem>>
          %dma_start3A_1148 = tpu.memref_slice %arg5[%dma_start3A_1142, %select_n3A_1092, %add3A_1141] : memref<2x8x512xi32, #tpu.memory_space<vmem>> -> memref<1x1x128xi32, #tpu.memory_space<vmem>>
          %dma_start3A_1149 = tpu.memref_squeeze %dma_start3A_1148 : memref<1x1x128xi32, #tpu.memory_space<vmem>> -> memref<128xi32, #tpu.memory_space<vmem>>
          %dma_start3A_1150 = arith.constant 0 : i32
          %dma_start3A_1151 = arith.constant 0 : i32
          %dma_start3A_1152 = tpu.memref_slice %arg3[%dma_start3A_1150, %dma_start3A_1151] : memref<1000000x64xf32, #tpu.memory_space<hbm>> -> memref<1000000x64xf32, #tpu.memory_space<hbm>>
          tpu.enqueue_indirect_dma source(%dma_start3A_1152 : memref<1000000x64xf32, #tpu.memory_space<hbm>>) target(%dma_start3A_1147 : memref<128x64xf32, #tpu.memory_space<vmem>>) offsets(%dma_start3A_1149 : memref<128xi32, #tpu.memory_space<vmem>>) semaphore(%arg10 : memref<!tpu.dma_semaphore, #tpu.memory_space<semaphore_mem>>)
          %mul3A_1153 = arith.constant 256 : i32
          %mul3A_1154 = arith.muli %select_n3A_1108, %mul3A_1153 : i32
          %add3A_1155 = arith.constant 128 : i32
          %add3A_1156 = arith.addi %mul3A_1154, %add3A_1155 : i32
          %dma_start3A_1157 = arith.constant 1 : i32
          %dma_start3A_1158 = arith.constant 2 : i32
          %dma_start3A_1159 = arith.constant 128 : i32
          %dma_start3A_1160 = arith.constant 0 : i32
          %dma_start3A_1161 = tpu.memref_slice %arg6[%dma_start3A_1158, %dma_start3A_1159, %dma_start3A_1160] : memref<4x256x64xf32, #tpu.memory_space<vmem>> -> memref<1x128x64xf32, #tpu.memory_space<vmem>>
          %dma_start3A_1162 = tpu.memref_squeeze %dma_start3A_1161 : memref<1x128x64xf32, #tpu.memory_space<vmem>> -> memref<128x64xf32, #tpu.memory_space<vmem>>
          %dma_start3A_1163 = tpu.memref_slice %arg5[%dma_start3A_1157, %select_n3A_1092, %add3A_1156] : memref<2x8x512xi32, #tpu.memory_space<vmem>> -> memref<1x1x128xi32, #tpu.memory_space<vmem>>
          %dma_start3A_1164 = tpu.memref_squeeze %dma_start3A_1163 : memref<1x1x128xi32, #tpu.memory_space<vmem>> -> memref<128xi32, #tpu.memory_space<vmem>>
          %dma_start3A_1165 = arith.constant 0 : i32
          %dma_start3A_1166 = arith.constant 0 : i32
          %dma_start3A_1167 = tpu.memref_slice %arg3[%dma_start3A_1165, %dma_start3A_1166] : memref<1000000x64xf32, #tpu.memory_space<hbm>> -> memref<1000000x64xf32, #tpu.memory_space<hbm>>
          tpu.enqueue_indirect_dma source(%dma_start3A_1167 : memref<1000000x64xf32, #tpu.memory_space<hbm>>) target(%dma_start3A_1162 : memref<128x64xf32, #tpu.memory_space<vmem>>) offsets(%dma_start3A_1164 : memref<128xi32, #tpu.memory_space<vmem>>) semaphore(%arg10 : memref<!tpu.dma_semaphore, #tpu.memory_space<semaphore_mem>>)
        } else {
        }
      } else {
      }
      %mul3A_340 = arith.constant 4 : i32
      %mul3A_341 = arith.muli %mul3A_340, %scan3A_130 : i32
      %add3A_342 = arith.constant 1 : i32
      %add3A_343 = arith.addi %mul3A_341, %add3A_342 : i32
      %jit3A_344 = arith.constant 16 : i32
      %div3A_345 = arith.divsi %add3A_343, %jit3A_344 : i32
      %sign3A_346 = arith.constant 0 : i32
      %sign3A_347 = arith.cmpi sgt, %add3A_343, %sign3A_346 : i32
      %sign3A_348 = arith.extui %sign3A_347 : i1 to i32
      %sign3A_349 = arith.constant 0 : i32
      %sign3A_350 = arith.cmpi slt, %add3A_343, %sign3A_349 : i32
      %sign3A_351 = arith.extui %sign3A_350 : i1 to i32
      %sign3A_352 = arith.subi %sign3A_348, %sign3A_351 : i32
      %sign3A_353 = arith.constant 0 : i32
      %sign3A_354 = arith.cmpi sgt, %jit3A_344, %sign3A_353 : i32
      %sign3A_355 = arith.extui %sign3A_354 : i1 to i32
      %sign3A_356 = arith.constant 0 : i32
      %sign3A_357 = arith.cmpi slt, %jit3A_344, %sign3A_356 : i32
      %sign3A_358 = arith.extui %sign3A_357 : i1 to i32
      %sign3A_359 = arith.subi %sign3A_355, %sign3A_358 : i32
      %ne3A_360 = arith.cmpi ne, %sign3A_352, %sign3A_359 : i32
      %rem3A_361 = arith.remsi %add3A_343, %jit3A_344 : i32
      %ne3A_362 = arith.constant 0 : i32
      %ne3A_363 = arith.cmpi ne, %rem3A_361, %ne3A_362 : i32
      %and3A_364 = arith.andi %ne3A_360, %ne3A_363 : i1
      %sub3A_365 = arith.constant 1 : i32
      %sub3A_366 = arith.subi %div3A_345, %sub3A_365 : i32
      %select_n3A_367 = arith.select %and3A_364, %sub3A_366, %div3A_345 : i32
      %jit3A_368 = arith.constant 16 : i32
      %eq3A_369 = arith.constant 0 : i32
      %eq3A_370 = arith.cmpi eq, %jit3A_368, %eq3A_369 : i32
      %jit3A_371 = arith.constant 1 : i32
      %select_n3A_372 = arith.select %eq3A_370, %jit3A_371, %jit3A_368 : i32
      %rem3A_373 = arith.remsi %add3A_343, %select_n3A_372 : i32
      %ne3A_374 = arith.constant 0 : i32
      %ne3A_375 = arith.cmpi ne, %rem3A_373, %ne3A_374 : i32
      %lt3A_376 = arith.constant 0 : i32
      %lt3A_377 = arith.cmpi slt, %rem3A_373, %lt3A_376 : i32
      %lt3A_378 = arith.constant 0 : i32
      %lt3A_379 = arith.cmpi slt, %select_n3A_372, %lt3A_378 : i32
      %ne3A_380 = arith.xori %lt3A_377, %lt3A_379 : i1
      %and3A_381 = arith.andi %ne3A_380, %ne3A_375 : i1
      %add3A_382 = arith.addi %rem3A_373, %select_n3A_372 : i32
      %select_n3A_383 = arith.select %and3A_381, %add3A_382, %rem3A_373 : i32
      %jit3A_384 = arith.constant 2 : i32
      %div3A_385 = arith.divsi %select_n3A_383, %jit3A_384 : i32
      %sign3A_386 = arith.constant 0 : i32
      %sign3A_387 = arith.cmpi sgt, %select_n3A_383, %sign3A_386 : i32
      %sign3A_388 = arith.extui %sign3A_387 : i1 to i32
      %sign3A_389 = arith.constant 0 : i32
      %sign3A_390 = arith.cmpi slt, %select_n3A_383, %sign3A_389 : i32
      %sign3A_391 = arith.extui %sign3A_390 : i1 to i32
      %sign3A_392 = arith.subi %sign3A_388, %sign3A_391 : i32
      %sign3A_393 = arith.constant 0 : i32
      %sign3A_394 = arith.cmpi sgt, %jit3A_384, %sign3A_393 : i32
      %sign3A_395 = arith.extui %sign3A_394 : i1 to i32
      %sign3A_396 = arith.constant 0 : i32
      %sign3A_397 = arith.cmpi slt, %jit3A_384, %sign3A_396 : i32
      %sign3A_398 = arith.extui %sign3A_397 : i1 to i32
      %sign3A_399 = arith.subi %sign3A_395, %sign3A_398 : i32
      %ne3A_400 = arith.cmpi ne, %sign3A_392, %sign3A_399 : i32
      %rem3A_401 = arith.remsi %select_n3A_383, %jit3A_384 : i32
      %ne3A_402 = arith.constant 0 : i32
      %ne3A_403 = arith.cmpi ne, %rem3A_401, %ne3A_402 : i32
      %and3A_404 = arith.andi %ne3A_400, %ne3A_403 : i1
      %sub3A_405 = arith.constant 1 : i32
      %sub3A_406 = arith.subi %div3A_385, %sub3A_405 : i32
      %select_n3A_407 = arith.select %and3A_404, %sub3A_406, %div3A_385 : i32
      %jit3A_408 = arith.constant 2 : i32
      %eq3A_409 = arith.constant 0 : i32
      %eq3A_410 = arith.cmpi eq, %jit3A_408, %eq3A_409 : i32
      %jit3A_411 = arith.constant 1 : i32
      %select_n3A_412 = arith.select %eq3A_410, %jit3A_411, %jit3A_408 : i32
      %rem3A_413 = arith.remsi %select_n3A_383, %select_n3A_412 : i32
      %ne3A_414 = arith.constant 0 : i32
      %ne3A_415 = arith.cmpi ne, %rem3A_413, %ne3A_414 : i32
      %lt3A_416 = arith.constant 0 : i32
      %lt3A_417 = arith.cmpi slt, %rem3A_413, %lt3A_416 : i32
      %lt3A_418 = arith.constant 0 : i32
      %lt3A_419 = arith.cmpi slt, %select_n3A_412, %lt3A_418 : i32
      %ne3A_420 = arith.xori %lt3A_417, %lt3A_419 : i1
      %and3A_421 = arith.andi %ne3A_420, %ne3A_415 : i1
      %add3A_422 = arith.addi %rem3A_413, %select_n3A_412 : i32
      %select_n3A_423 = arith.select %and3A_421, %add3A_422, %rem3A_413 : i32
      %mul3A_424 = arith.constant 8 : i32
      %mul3A_425 = arith.muli %select_n3A_367, %mul3A_424 : i32
      %add3A_426 = arith.addi %mul3A_425, %select_n3A_407 : i32
      %dma_wait3A_427 = arith.constant 0 : i32
      %dma_wait3A_428 = arith.constant 0 : i32
      %dma_wait3A_429 = arith.constant 1 : i32
      %dma_wait3A_430 = arith.constant 0 : i32
      %dma_wait3A_431 = arith.constant 0 : i32
      %dma_wait3A_432 = tpu.memref_slice %arg6[%dma_wait3A_429, %dma_wait3A_430, %dma_wait3A_431] : memref<4x256x64xf32, #tpu.memory_space<vmem>> -> memref<1x128x64xf32, #tpu.memory_space<vmem>>
      %dma_wait3A_433 = tpu.memref_squeeze %dma_wait3A_432 : memref<1x128x64xf32, #tpu.memory_space<vmem>> -> memref<128x64xf32, #tpu.memory_space<vmem>>
      %dma_wait3A_434 = arith.constant 0 : i32
      %dma_wait3A_435 = tpu.memref_slice %arg5[%dma_wait3A_427, %dma_wait3A_428, %dma_wait3A_434] : memref<2x8x512xi32, #tpu.memory_space<vmem>> -> memref<1x1x128xi32, #tpu.memory_space<vmem>>
      %dma_wait3A_436 = tpu.memref_squeeze %dma_wait3A_435 : memref<1x1x128xi32, #tpu.memory_space<vmem>> -> memref<128xi32, #tpu.memory_space<vmem>>
      %dma_wait3A_437 = arith.constant 0 : i32
      %dma_wait3A_438 = arith.constant 0 : i32
      %dma_wait3A_439 = tpu.memref_slice %arg3[%dma_wait3A_437, %dma_wait3A_438] : memref<1000000x64xf32, #tpu.memory_space<hbm>> -> memref<1000000x64xf32, #tpu.memory_space<hbm>>
      tpu.wait_indirect_dma semaphore(%arg9 : memref<!tpu.dma_semaphore, #tpu.memory_space<semaphore_mem>>) src(%dma_wait3A_439 : memref<1000000x64xf32, #tpu.memory_space<hbm>>) dst(%dma_wait3A_433 : memref<128x64xf32, #tpu.memory_space<vmem>>)
      %dma_wait3A_440 = arith.constant 0 : i32
      %dma_wait3A_441 = arith.constant 0 : i32
      %dma_wait3A_442 = arith.constant 1 : i32
      %dma_wait3A_443 = arith.constant 128 : i32
      %dma_wait3A_444 = arith.constant 0 : i32
      %dma_wait3A_445 = tpu.memref_slice %arg6[%dma_wait3A_442, %dma_wait3A_443, %dma_wait3A_444] : memref<4x256x64xf32, #tpu.memory_space<vmem>> -> memref<1x128x64xf32, #tpu.memory_space<vmem>>
      %dma_wait3A_446 = tpu.memref_squeeze %dma_wait3A_445 : memref<1x128x64xf32, #tpu.memory_space<vmem>> -> memref<128x64xf32, #tpu.memory_space<vmem>>
      %dma_wait3A_447 = arith.constant 128 : i32
      %dma_wait3A_448 = tpu.memref_slice %arg5[%dma_wait3A_440, %dma_wait3A_441, %dma_wait3A_447] : memref<2x8x512xi32, #tpu.memory_space<vmem>> -> memref<1x1x128xi32, #tpu.memory_space<vmem>>
      %dma_wait3A_449 = tpu.memref_squeeze %dma_wait3A_448 : memref<1x1x128xi32, #tpu.memory_space<vmem>> -> memref<128xi32, #tpu.memory_space<vmem>>
      %dma_wait3A_450 = arith.constant 0 : i32
      %dma_wait3A_451 = arith.constant 0 : i32
      %dma_wait3A_452 = tpu.memref_slice %arg3[%dma_wait3A_450, %dma_wait3A_451] : memref<1000000x64xf32, #tpu.memory_space<hbm>> -> memref<1000000x64xf32, #tpu.memory_space<hbm>>
      tpu.wait_indirect_dma semaphore(%arg9 : memref<!tpu.dma_semaphore, #tpu.memory_space<semaphore_mem>>) src(%dma_wait3A_452 : memref<1000000x64xf32, #tpu.memory_space<hbm>>) dst(%dma_wait3A_446 : memref<128x64xf32, #tpu.memory_space<vmem>>)
      %jit3A_453 = arith.constant 16 : i32
      %div3A_454 = arith.divsi %add3A_343, %jit3A_453 : i32
      %sign3A_455 = arith.constant 0 : i32
      %sign3A_456 = arith.cmpi sgt, %add3A_343, %sign3A_455 : i32
      %sign3A_457 = arith.extui %sign3A_456 : i1 to i32
      %sign3A_458 = arith.constant 0 : i32
      %sign3A_459 = arith.cmpi slt, %add3A_343, %sign3A_458 : i32
      %sign3A_460 = arith.extui %sign3A_459 : i1 to i32
      %sign3A_461 = arith.subi %sign3A_457, %sign3A_460 : i32
      %sign3A_462 = arith.constant 0 : i32
      %sign3A_463 = arith.cmpi sgt, %jit3A_453, %sign3A_462 : i32
      %sign3A_464 = arith.extui %sign3A_463 : i1 to i32
      %sign3A_465 = arith.constant 0 : i32
      %sign3A_466 = arith.cmpi slt, %jit3A_453, %sign3A_465 : i32
      %sign3A_467 = arith.extui %sign3A_466 : i1 to i32
      %sign3A_468 = arith.subi %sign3A_464, %sign3A_467 : i32
      %ne3A_469 = arith.cmpi ne, %sign3A_461, %sign3A_468 : i32
      %rem3A_470 = arith.remsi %add3A_343, %jit3A_453 : i32
      %ne3A_471 = arith.constant 0 : i32
      %ne3A_472 = arith.cmpi ne, %rem3A_470, %ne3A_471 : i32
      %and3A_473 = arith.andi %ne3A_469, %ne3A_472 : i1
      %sub3A_474 = arith.constant 1 : i32
      %sub3A_475 = arith.subi %div3A_454, %sub3A_474 : i32
      %select_n3A_476 = arith.select %and3A_473, %sub3A_475, %div3A_454 : i32
      %jit3A_477 = arith.constant 16 : i32
      %eq3A_478 = arith.constant 0 : i32
      %eq3A_479 = arith.cmpi eq, %jit3A_477, %eq3A_478 : i32
      %jit3A_480 = arith.constant 1 : i32
      %select_n3A_481 = arith.select %eq3A_479, %jit3A_480, %jit3A_477 : i32
      %rem3A_482 = arith.remsi %add3A_343, %select_n3A_481 : i32
      %ne3A_483 = arith.constant 0 : i32
      %ne3A_484 = arith.cmpi ne, %rem3A_482, %ne3A_483 : i32
      %lt3A_485 = arith.constant 0 : i32
      %lt3A_486 = arith.cmpi slt, %rem3A_482, %lt3A_485 : i32
      %lt3A_487 = arith.constant 0 : i32
      %lt3A_488 = arith.cmpi slt, %select_n3A_481, %lt3A_487 : i32
      %ne3A_489 = arith.xori %lt3A_486, %lt3A_488 : i1
      %and3A_490 = arith.andi %ne3A_489, %ne3A_484 : i1
      %add3A_491 = arith.addi %rem3A_482, %select_n3A_481 : i32
      %select_n3A_492 = arith.select %and3A_490, %add3A_491, %rem3A_482 : i32
      %jit3A_493 = arith.constant 2 : i32
      %div3A_494 = arith.divsi %select_n3A_492, %jit3A_493 : i32
      %sign3A_495 = arith.constant 0 : i32
      %sign3A_496 = arith.cmpi sgt, %select_n3A_492, %sign3A_495 : i32
      %sign3A_497 = arith.extui %sign3A_496 : i1 to i32
      %sign3A_498 = arith.constant 0 : i32
      %sign3A_499 = arith.cmpi slt, %select_n3A_492, %sign3A_498 : i32
      %sign3A_500 = arith.extui %sign3A_499 : i1 to i32
      %sign3A_501 = arith.subi %sign3A_497, %sign3A_500 : i32
      %sign3A_502 = arith.constant 0 : i32
      %sign3A_503 = arith.cmpi sgt, %jit3A_493, %sign3A_502 : i32
      %sign3A_504 = arith.extui %sign3A_503 : i1 to i32
      %sign3A_505 = arith.constant 0 : i32
      %sign3A_506 = arith.cmpi slt, %jit3A_493, %sign3A_505 : i32
      %sign3A_507 = arith.extui %sign3A_506 : i1 to i32
      %sign3A_508 = arith.subi %sign3A_504, %sign3A_507 : i32
      %ne3A_509 = arith.cmpi ne, %sign3A_501, %sign3A_508 : i32
      %rem3A_510 = arith.remsi %select_n3A_492, %jit3A_493 : i32
      %ne3A_511 = arith.constant 0 : i32
      %ne3A_512 = arith.cmpi ne, %rem3A_510, %ne3A_511 : i32
      %and3A_513 = arith.andi %ne3A_509, %ne3A_512 : i1
      %sub3A_514 = arith.constant 1 : i32
      %sub3A_515 = arith.subi %div3A_494, %sub3A_514 : i32
      %select_n3A_516 = arith.select %and3A_513, %sub3A_515, %div3A_494 : i32
      %jit3A_517 = arith.constant 2 : i32
      %eq3A_518 = arith.constant 0 : i32
      %eq3A_519 = arith.cmpi eq, %jit3A_517, %eq3A_518 : i32
      %jit3A_520 = arith.constant 1 : i32
      %select_n3A_521 = arith.select %eq3A_519, %jit3A_520, %jit3A_517 : i32
      %rem3A_522 = arith.remsi %select_n3A_492, %select_n3A_521 : i32
      %ne3A_523 = arith.constant 0 : i32
      %ne3A_524 = arith.cmpi ne, %rem3A_522, %ne3A_523 : i32
      %lt3A_525 = arith.constant 0 : i32
      %lt3A_526 = arith.cmpi slt, %rem3A_522, %lt3A_525 : i32
      %lt3A_527 = arith.constant 0 : i32
      %lt3A_528 = arith.cmpi slt, %select_n3A_521, %lt3A_527 : i32
      %ne3A_529 = arith.xori %lt3A_526, %lt3A_528 : i1
      %and3A_530 = arith.andi %ne3A_529, %ne3A_524 : i1
      %add3A_531 = arith.addi %rem3A_522, %select_n3A_521 : i32
      %select_n3A_532 = arith.select %and3A_530, %add3A_531, %rem3A_522 : i32
      %mul3A_533 = arith.constant 8 : i32
      %mul3A_534 = arith.muli %select_n3A_476, %mul3A_533 : i32
      %add3A_535 = arith.addi %mul3A_534, %select_n3A_516 : i32
      %mul3A_536 = arith.constant 256 : i32
      %mul3A_537 = arith.muli %select_n3A_532, %mul3A_536 : i32
      %add3A_538 = arith.addi %mul3A_2, %mul3A_537 : i32
      %dma_start3A_539 = arith.constant 1 : i32
      %dma_start3A_540 = arith.constant 0 : i32
      %dma_start3A_541 = arith.constant 0 : i32
      %dma_start3A_542 = tpu.memref_slice %arg6[%dma_start3A_539, %dma_start3A_540, %dma_start3A_541] : memref<4x256x64xf32, #tpu.memory_space<vmem>> -> memref<1x256x64xf32, #tpu.memory_space<vmem>>
      %dma_start3A_543 = tpu.memref_squeeze %dma_start3A_542 : memref<1x256x64xf32, #tpu.memory_space<vmem>> -> memref<256x64xf32, #tpu.memory_space<vmem>>
      %dma_start3A_544 = arith.constant 0 : i32
      %dma_start3A_545 = tpu.memref_slice %arg4[%add3A_535, %add3A_538, %dma_start3A_544] : memref<200x16384x128xf32, #tpu.memory_space<hbm>> -> memref<1x256x64xf32, #tpu.memory_space<hbm>>
      %dma_start3A_546 = tpu.memref_squeeze %dma_start3A_545 : memref<1x256x64xf32, #tpu.memory_space<hbm>> -> memref<256x64xf32, #tpu.memory_space<hbm>>
      %dma_start3A_547 = arith.constant 0 : i32
      %dma_start3A_548 = tpu.memref_slice %arg4[%add3A_535, %add3A_538, %dma_start3A_547] : memref<200x16384x128xf32, #tpu.memory_space<hbm>> -> memref<1x256x64xf32, #tpu.memory_space<hbm>>
      %dma_start3A_549 = tpu.memref_squeeze %dma_start3A_548 : memref<1x256x64xf32, #tpu.memory_space<hbm>> -> memref<256x64xf32, #tpu.memory_space<hbm>>
      %dma_start3A_550 = arith.constant 0 : i32
      %dma_start3A_551 = arith.constant 0 : i32
      %dma_start3A_552 = tpu.memref_slice %arg6[%dma_start3A_539, %dma_start3A_550, %dma_start3A_551] : memref<4x256x64xf32, #tpu.memory_space<vmem>> -> memref<1x256x64xf32, #tpu.memory_space<vmem>>
      %dma_start3A_553 = tpu.memref_squeeze %dma_start3A_552 : memref<1x256x64xf32, #tpu.memory_space<vmem>> -> memref<256x64xf32, #tpu.memory_space<vmem>>
      tpu.enqueue_dma source(%dma_start3A_553 : memref<256x64xf32, #tpu.memory_space<vmem>>) target(%dma_start3A_549 : memref<256x64xf32, #tpu.memory_space<hbm>>) target_semaphore(%arg13 : memref<!tpu.dma_semaphore, #tpu.memory_space<semaphore_mem>>)
      %add3A_554 = arith.constant 2 : i32
      %add3A_555 = arith.addi %add3A_343, %add3A_554 : i32
      %lt3A_556 = arith.constant 400 : i32
      %lt3A_557 = arith.cmpi slt, %add3A_555, %lt3A_556 : i32
      %convert_element_type3A_558 = arith.extui %lt3A_557 : i1 to i32
      %cond3A_559 = arith.constant 0 : i32
      %cond3A_560 = arith.cmpi ne, %convert_element_type3A_558, %cond3A_559 : i32
      scf.if %cond3A_560 {
        %ge3A = arith.constant 2 : i32
        %ge3A_1023 = arith.cmpi sge, %add3A_343, %ge3A : i32
        %convert_element_type3A_1024 = arith.extui %ge3A_1023 : i1 to i32
        %cond3A_1025 = arith.constant 0 : i32
        %cond3A_1026 = arith.cmpi ne, %convert_element_type3A_1024, %cond3A_1025 : i32
        scf.if %cond3A_1026 {
          %dma_wait3A_1138 = arith.constant 3 : i32
          %dma_wait3A_1139 = arith.constant 0 : i32
          %dma_wait3A_1140 = arith.constant 0 : i32
          %dma_wait3A_1141 = arith.constant 0 : i32
          %dma_wait3A_1142 = tpu.memref_slice %arg6[%dma_wait3A_1138, %dma_wait3A_1140, %dma_wait3A_1141] : memref<4x256x64xf32, #tpu.memory_space<vmem>> -> memref<1x256x64xf32, #tpu.memory_space<vmem>>
          %dma_wait3A_1143 = tpu.memref_squeeze %dma_wait3A_1142 : memref<1x256x64xf32, #tpu.memory_space<vmem>> -> memref<256x64xf32, #tpu.memory_space<vmem>>
          %dma_wait3A_1144 = arith.constant 0 : i32
          %dma_wait3A_1145 = arith.constant 0 : i32
          %dma_wait3A_1146 = tpu.memref_slice %arg4[%dma_wait3A_1139, %dma_wait3A_1144, %dma_wait3A_1145] : memref<200x16384x128xf32, #tpu.memory_space<hbm>> -> memref<1x256x64xf32, #tpu.memory_space<hbm>>
          %dma_wait3A_1147 = tpu.memref_squeeze %dma_wait3A_1146 : memref<1x256x64xf32, #tpu.memory_space<hbm>> -> memref<256x64xf32, #tpu.memory_space<hbm>>
          %dma_wait3A_1148 = arith.constant 0 : i32
          %dma_wait3A_1149 = arith.constant 0 : i32
          %dma_wait3A_1150 = tpu.memref_slice %arg4[%dma_wait3A_1139, %dma_wait3A_1148, %dma_wait3A_1149] : memref<200x16384x128xf32, #tpu.memory_space<hbm>> -> memref<1x256x64xf32, #tpu.memory_space<hbm>>
          %dma_wait3A_1151 = tpu.memref_squeeze %dma_wait3A_1150 : memref<1x256x64xf32, #tpu.memory_space<hbm>> -> memref<256x64xf32, #tpu.memory_space<hbm>>
          %dma_wait3A_1152 = arith.constant 0 : i32
          %dma_wait3A_1153 = arith.constant 0 : i32
          %dma_wait3A_1154 = tpu.memref_slice %arg6[%dma_wait3A_1138, %dma_wait3A_1152, %dma_wait3A_1153] : memref<4x256x64xf32, #tpu.memory_space<vmem>> -> memref<1x256x64xf32, #tpu.memory_space<vmem>>
          %dma_wait3A_1155 = tpu.memref_squeeze %dma_wait3A_1154 : memref<1x256x64xf32, #tpu.memory_space<vmem>> -> memref<256x64xf32, #tpu.memory_space<vmem>>
          tpu.wait_dma2 semaphore(%arg15 : memref<!tpu.dma_semaphore, #tpu.memory_space<semaphore_mem>>) src(%dma_wait3A_1155 : memref<256x64xf32, #tpu.memory_space<vmem>>) dst(%dma_wait3A_1151 : memref<256x64xf32, #tpu.memory_space<hbm>>)
        } else {
        }
        %add3A_1027 = arith.constant 2 : i32
        %add3A_1028 = arith.addi %add3A_343, %add3A_1027 : i32
        %jit3A_1029 = arith.constant 16 : i32
        %div3A_1030 = arith.divsi %add3A_1028, %jit3A_1029 : i32
        %sign3A_1031 = arith.constant 0 : i32
        %sign3A_1032 = arith.cmpi sgt, %add3A_1028, %sign3A_1031 : i32
        %sign3A_1033 = arith.extui %sign3A_1032 : i1 to i32
        %sign3A_1034 = arith.constant 0 : i32
        %sign3A_1035 = arith.cmpi slt, %add3A_1028, %sign3A_1034 : i32
        %sign3A_1036 = arith.extui %sign3A_1035 : i1 to i32
        %sign3A_1037 = arith.subi %sign3A_1033, %sign3A_1036 : i32
        %sign3A_1038 = arith.constant 0 : i32
        %sign3A_1039 = arith.cmpi sgt, %jit3A_1029, %sign3A_1038 : i32
        %sign3A_1040 = arith.extui %sign3A_1039 : i1 to i32
        %sign3A_1041 = arith.constant 0 : i32
        %sign3A_1042 = arith.cmpi slt, %jit3A_1029, %sign3A_1041 : i32
        %sign3A_1043 = arith.extui %sign3A_1042 : i1 to i32
        %sign3A_1044 = arith.subi %sign3A_1040, %sign3A_1043 : i32
        %ne3A_1045 = arith.cmpi ne, %sign3A_1037, %sign3A_1044 : i32
        %rem3A_1046 = arith.remsi %add3A_1028, %jit3A_1029 : i32
        %ne3A_1047 = arith.constant 0 : i32
        %ne3A_1048 = arith.cmpi ne, %rem3A_1046, %ne3A_1047 : i32
        %and3A_1049 = arith.andi %ne3A_1045, %ne3A_1048 : i1
        %sub3A_1050 = arith.constant 1 : i32
        %sub3A_1051 = arith.subi %div3A_1030, %sub3A_1050 : i32
        %select_n3A_1052 = arith.select %and3A_1049, %sub3A_1051, %div3A_1030 : i32
        %jit3A_1053 = arith.constant 16 : i32
        %eq3A_1054 = arith.constant 0 : i32
        %eq3A_1055 = arith.cmpi eq, %jit3A_1053, %eq3A_1054 : i32
        %jit3A_1056 = arith.constant 1 : i32
        %select_n3A_1057 = arith.select %eq3A_1055, %jit3A_1056, %jit3A_1053 : i32
        %rem3A_1058 = arith.remsi %add3A_1028, %select_n3A_1057 : i32
        %ne3A_1059 = arith.constant 0 : i32
        %ne3A_1060 = arith.cmpi ne, %rem3A_1058, %ne3A_1059 : i32
        %lt3A_1061 = arith.constant 0 : i32
        %lt3A_1062 = arith.cmpi slt, %rem3A_1058, %lt3A_1061 : i32
        %lt3A_1063 = arith.constant 0 : i32
        %lt3A_1064 = arith.cmpi slt, %select_n3A_1057, %lt3A_1063 : i32
        %ne3A_1065 = arith.xori %lt3A_1062, %lt3A_1064 : i1
        %and3A_1066 = arith.andi %ne3A_1065, %ne3A_1060 : i1
        %add3A_1067 = arith.addi %rem3A_1058, %select_n3A_1057 : i32
        %select_n3A_1068 = arith.select %and3A_1066, %add3A_1067, %rem3A_1058 : i32
        %jit3A_1069 = arith.constant 2 : i32
        %div3A_1070 = arith.divsi %select_n3A_1068, %jit3A_1069 : i32
        %sign3A_1071 = arith.constant 0 : i32
        %sign3A_1072 = arith.cmpi sgt, %select_n3A_1068, %sign3A_1071 : i32
        %sign3A_1073 = arith.extui %sign3A_1072 : i1 to i32
        %sign3A_1074 = arith.constant 0 : i32
        %sign3A_1075 = arith.cmpi slt, %select_n3A_1068, %sign3A_1074 : i32
        %sign3A_1076 = arith.extui %sign3A_1075 : i1 to i32
        %sign3A_1077 = arith.subi %sign3A_1073, %sign3A_1076 : i32
        %sign3A_1078 = arith.constant 0 : i32
        %sign3A_1079 = arith.cmpi sgt, %jit3A_1069, %sign3A_1078 : i32
        %sign3A_1080 = arith.extui %sign3A_1079 : i1 to i32
        %sign3A_1081 = arith.constant 0 : i32
        %sign3A_1082 = arith.cmpi slt, %jit3A_1069, %sign3A_1081 : i32
        %sign3A_1083 = arith.extui %sign3A_1082 : i1 to i32
        %sign3A_1084 = arith.subi %sign3A_1080, %sign3A_1083 : i32
        %ne3A_1085 = arith.cmpi ne, %sign3A_1077, %sign3A_1084 : i32
        %rem3A_1086 = arith.remsi %select_n3A_1068, %jit3A_1069 : i32
        %ne3A_1087 = arith.constant 0 : i32
        %ne3A_1088 = arith.cmpi ne, %rem3A_1086, %ne3A_1087 : i32
        %and3A_1089 = arith.andi %ne3A_1085, %ne3A_1088 : i1
        %sub3A_1090 = arith.constant 1 : i32
        %sub3A_1091 = arith.subi %div3A_1070, %sub3A_1090 : i32
        %select_n3A_1092 = arith.select %and3A_1089, %sub3A_1091, %div3A_1070 : i32
        %jit3A_1093 = arith.constant 2 : i32
        %eq3A_1094 = arith.constant 0 : i32
        %eq3A_1095 = arith.cmpi eq, %jit3A_1093, %eq3A_1094 : i32
        %jit3A_1096 = arith.constant 1 : i32
        %select_n3A_1097 = arith.select %eq3A_1095, %jit3A_1096, %jit3A_1093 : i32
        %rem3A_1098 = arith.remsi %select_n3A_1068, %select_n3A_1097 : i32
        %ne3A_1099 = arith.constant 0 : i32
        %ne3A_1100 = arith.cmpi ne, %rem3A_1098, %ne3A_1099 : i32
        %lt3A_1101 = arith.constant 0 : i32
        %lt3A_1102 = arith.cmpi slt, %rem3A_1098, %lt3A_1101 : i32
        %lt3A_1103 = arith.constant 0 : i32
        %lt3A_1104 = arith.cmpi slt, %select_n3A_1097, %lt3A_1103 : i32
        %ne3A_1105 = arith.xori %lt3A_1102, %lt3A_1104 : i1
        %and3A_1106 = arith.andi %ne3A_1105, %ne3A_1100 : i1
        %add3A_1107 = arith.addi %rem3A_1098, %select_n3A_1097 : i32
        %select_n3A_1108 = arith.select %and3A_1106, %add3A_1107, %rem3A_1098 : i32
        %mul3A_1109 = arith.constant 8 : i32
        %mul3A_1110 = arith.muli %select_n3A_1052, %mul3A_1109 : i32
        %add3A_1111 = arith.addi %mul3A_1110, %select_n3A_1092 : i32
        %jit3A_1112 = arith.constant 2 : i32
        %eq3A_1113 = arith.constant 0 : i32
        %eq3A_1114 = arith.cmpi eq, %jit3A_1112, %eq3A_1113 : i32
        %jit3A_1115 = arith.constant 1 : i32
        %select_n3A_1116 = arith.select %eq3A_1114, %jit3A_1115, %jit3A_1112 : i32
        %rem3A_1117 = arith.remsi %select_n3A_1052, %select_n3A_1116 : i32
        %ne3A_1118 = arith.constant 0 : i32
        %ne3A_1119 = arith.cmpi ne, %rem3A_1117, %ne3A_1118 : i32
        %lt3A_1120 = arith.constant 0 : i32
        %lt3A_1121 = arith.cmpi slt, %rem3A_1117, %lt3A_1120 : i32
        %lt3A_1122 = arith.constant 0 : i32
        %lt3A_1123 = arith.cmpi slt, %select_n3A_1116, %lt3A_1122 : i32
        %ne3A_1124 = arith.xori %lt3A_1121, %lt3A_1123 : i1
        %and3A_1125 = arith.andi %ne3A_1124, %ne3A_1119 : i1
        %add3A_1126 = arith.addi %rem3A_1117, %select_n3A_1116 : i32
        %select_n3A_1127 = arith.select %and3A_1125, %add3A_1126, %rem3A_1117 : i32
        %eq3A_1128 = arith.constant 0 : i32
        %eq3A_1129 = arith.cmpi eq, %select_n3A_1127, %eq3A_1128 : i32
        %convert_element_type3A_1130 = arith.extui %eq3A_1129 : i1 to i32
        %cond3A_1131 = arith.constant 0 : i32
        %cond3A_1132 = arith.cmpi ne, %convert_element_type3A_1130, %cond3A_1131 : i32
        scf.if %cond3A_1132 {
          %mul3A_1138 = arith.constant 256 : i32
          %mul3A_1139 = arith.muli %select_n3A_1108, %mul3A_1138 : i32
          %add3A_1140 = arith.constant 0 : i32
          %add3A_1141 = arith.addi %mul3A_1139, %add3A_1140 : i32
          %dma_start3A_1142 = arith.constant 0 : i32
          %dma_start3A_1143 = arith.constant 3 : i32
          %dma_start3A_1144 = arith.constant 0 : i32
          %dma_start3A_1145 = arith.constant 0 : i32
          %dma_start3A_1146 = tpu.memref_slice %arg6[%dma_start3A_1143, %dma_start3A_1144, %dma_start3A_1145] : memref<4x256x64xf32, #tpu.memory_space<vmem>> -> memref<1x128x64xf32, #tpu.memory_space<vmem>>
          %dma_start3A_1147 = tpu.memref_squeeze %dma_start3A_1146 : memref<1x128x64xf32, #tpu.memory_space<vmem>> -> memref<128x64xf32, #tpu.memory_space<vmem>>
          %dma_start3A_1148 = tpu.memref_slice %arg5[%dma_start3A_1142, %select_n3A_1092, %add3A_1141] : memref<2x8x512xi32, #tpu.memory_space<vmem>> -> memref<1x1x128xi32, #tpu.memory_space<vmem>>
          %dma_start3A_1149 = tpu.memref_squeeze %dma_start3A_1148 : memref<1x1x128xi32, #tpu.memory_space<vmem>> -> memref<128xi32, #tpu.memory_space<vmem>>
          %dma_start3A_1150 = arith.constant 0 : i32
          %dma_start3A_1151 = arith.constant 0 : i32
          %dma_start3A_1152 = tpu.memref_slice %arg3[%dma_start3A_1150, %dma_start3A_1151] : memref<1000000x64xf32, #tpu.memory_space<hbm>> -> memref<1000000x64xf32, #tpu.memory_space<hbm>>
          tpu.enqueue_indirect_dma source(%dma_start3A_1152 : memref<1000000x64xf32, #tpu.memory_space<hbm>>) target(%dma_start3A_1147 : memref<128x64xf32, #tpu.memory_space<vmem>>) offsets(%dma_start3A_1149 : memref<128xi32, #tpu.memory_space<vmem>>) semaphore(%arg11 : memref<!tpu.dma_semaphore, #tpu.memory_space<semaphore_mem>>)
          %mul3A_1153 = arith.constant 256 : i32
          %mul3A_1154 = arith.muli %select_n3A_1108, %mul3A_1153 : i32
          %add3A_1155 = arith.constant 128 : i32
          %add3A_1156 = arith.addi %mul3A_1154, %add3A_1155 : i32
          %dma_start3A_1157 = arith.constant 0 : i32
          %dma_start3A_1158 = arith.constant 3 : i32
          %dma_start3A_1159 = arith.constant 128 : i32
          %dma_start3A_1160 = arith.constant 0 : i32
          %dma_start3A_1161 = tpu.memref_slice %arg6[%dma_start3A_1158, %dma_start3A_1159, %dma_start3A_1160] : memref<4x256x64xf32, #tpu.memory_space<vmem>> -> memref<1x128x64xf32, #tpu.memory_space<vmem>>
          %dma_start3A_1162 = tpu.memref_squeeze %dma_start3A_1161 : memref<1x128x64xf32, #tpu.memory_space<vmem>> -> memref<128x64xf32, #tpu.memory_space<vmem>>
          %dma_start3A_1163 = tpu.memref_slice %arg5[%dma_start3A_1157, %select_n3A_1092, %add3A_1156] : memref<2x8x512xi32, #tpu.memory_space<vmem>> -> memref<1x1x128xi32, #tpu.memory_space<vmem>>
          %dma_start3A_1164 = tpu.memref_squeeze %dma_start3A_1163 : memref<1x1x128xi32, #tpu.memory_space<vmem>> -> memref<128xi32, #tpu.memory_space<vmem>>
          %dma_start3A_1165 = arith.constant 0 : i32
          %dma_start3A_1166 = arith.constant 0 : i32
          %dma_start3A_1167 = tpu.memref_slice %arg3[%dma_start3A_1165, %dma_start3A_1166] : memref<1000000x64xf32, #tpu.memory_space<hbm>> -> memref<1000000x64xf32, #tpu.memory_space<hbm>>
          tpu.enqueue_indirect_dma source(%dma_start3A_1167 : memref<1000000x64xf32, #tpu.memory_space<hbm>>) target(%dma_start3A_1162 : memref<128x64xf32, #tpu.memory_space<vmem>>) offsets(%dma_start3A_1164 : memref<128xi32, #tpu.memory_space<vmem>>) semaphore(%arg11 : memref<!tpu.dma_semaphore, #tpu.memory_space<semaphore_mem>>)
        } else {
        }
        %eq3A_1133 = arith.constant 1 : i32
        %eq3A_1134 = arith.cmpi eq, %select_n3A_1127, %eq3A_1133 : i32
        %convert_element_type3A_1135 = arith.extui %eq3A_1134 : i1 to i32
        %cond3A_1136 = arith.constant 0 : i32
        %cond3A_1137 = arith.cmpi ne, %convert_element_type3A_1135, %cond3A_1136 : i32
        scf.if %cond3A_1137 {
          %mul3A_1138 = arith.constant 256 : i32
          %mul3A_1139 = arith.muli %select_n3A_1108, %mul3A_1138 : i32
          %add3A_1140 = arith.constant 0 : i32
          %add3A_1141 = arith.addi %mul3A_1139, %add3A_1140 : i32
          %dma_start3A_1142 = arith.constant 1 : i32
          %dma_start3A_1143 = arith.constant 3 : i32
          %dma_start3A_1144 = arith.constant 0 : i32
          %dma_start3A_1145 = arith.constant 0 : i32
          %dma_start3A_1146 = tpu.memref_slice %arg6[%dma_start3A_1143, %dma_start3A_1144, %dma_start3A_1145] : memref<4x256x64xf32, #tpu.memory_space<vmem>> -> memref<1x128x64xf32, #tpu.memory_space<vmem>>
          %dma_start3A_1147 = tpu.memref_squeeze %dma_start3A_1146 : memref<1x128x64xf32, #tpu.memory_space<vmem>> -> memref<128x64xf32, #tpu.memory_space<vmem>>
          %dma_start3A_1148 = tpu.memref_slice %arg5[%dma_start3A_1142, %select_n3A_1092, %add3A_1141] : memref<2x8x512xi32, #tpu.memory_space<vmem>> -> memref<1x1x128xi32, #tpu.memory_space<vmem>>
          %dma_start3A_1149 = tpu.memref_squeeze %dma_start3A_1148 : memref<1x1x128xi32, #tpu.memory_space<vmem>> -> memref<128xi32, #tpu.memory_space<vmem>>
          %dma_start3A_1150 = arith.constant 0 : i32
          %dma_start3A_1151 = arith.constant 0 : i32
          %dma_start3A_1152 = tpu.memref_slice %arg3[%dma_start3A_1150, %dma_start3A_1151] : memref<1000000x64xf32, #tpu.memory_space<hbm>> -> memref<1000000x64xf32, #tpu.memory_space<hbm>>
          tpu.enqueue_indirect_dma source(%dma_start3A_1152 : memref<1000000x64xf32, #tpu.memory_space<hbm>>) target(%dma_start3A_1147 : memref<128x64xf32, #tpu.memory_space<vmem>>) offsets(%dma_start3A_1149 : memref<128xi32, #tpu.memory_space<vmem>>) semaphore(%arg11 : memref<!tpu.dma_semaphore, #tpu.memory_space<semaphore_mem>>)
          %mul3A_1153 = arith.constant 256 : i32
          %mul3A_1154 = arith.muli %select_n3A_1108, %mul3A_1153 : i32
          %add3A_1155 = arith.constant 128 : i32
          %add3A_1156 = arith.addi %mul3A_1154, %add3A_1155 : i32
          %dma_start3A_1157 = arith.constant 1 : i32
          %dma_start3A_1158 = arith.constant 3 : i32
          %dma_start3A_1159 = arith.constant 128 : i32
          %dma_start3A_1160 = arith.constant 0 : i32
          %dma_start3A_1161 = tpu.memref_slice %arg6[%dma_start3A_1158, %dma_start3A_1159, %dma_start3A_1160] : memref<4x256x64xf32, #tpu.memory_space<vmem>> -> memref<1x128x64xf32, #tpu.memory_space<vmem>>
          %dma_start3A_1162 = tpu.memref_squeeze %dma_start3A_1161 : memref<1x128x64xf32, #tpu.memory_space<vmem>> -> memref<128x64xf32, #tpu.memory_space<vmem>>
          %dma_start3A_1163 = tpu.memref_slice %arg5[%dma_start3A_1157, %select_n3A_1092, %add3A_1156] : memref<2x8x512xi32, #tpu.memory_space<vmem>> -> memref<1x1x128xi32, #tpu.memory_space<vmem>>
          %dma_start3A_1164 = tpu.memref_squeeze %dma_start3A_1163 : memref<1x1x128xi32, #tpu.memory_space<vmem>> -> memref<128xi32, #tpu.memory_space<vmem>>
          %dma_start3A_1165 = arith.constant 0 : i32
          %dma_start3A_1166 = arith.constant 0 : i32
          %dma_start3A_1167 = tpu.memref_slice %arg3[%dma_start3A_1165, %dma_start3A_1166] : memref<1000000x64xf32, #tpu.memory_space<hbm>> -> memref<1000000x64xf32, #tpu.memory_space<hbm>>
          tpu.enqueue_indirect_dma source(%dma_start3A_1167 : memref<1000000x64xf32, #tpu.memory_space<hbm>>) target(%dma_start3A_1162 : memref<128x64xf32, #tpu.memory_space<vmem>>) offsets(%dma_start3A_1164 : memref<128xi32, #tpu.memory_space<vmem>>) semaphore(%arg11 : memref<!tpu.dma_semaphore, #tpu.memory_space<semaphore_mem>>)
        } else {
        }
      } else {
      }
      %mul3A_561 = arith.constant 4 : i32
      %mul3A_562 = arith.muli %mul3A_561, %scan3A_130 : i32
      %add3A_563 = arith.constant 2 : i32
      %add3A_564 = arith.addi %mul3A_562, %add3A_563 : i32
      %jit3A_565 = arith.constant 16 : i32
      %div3A_566 = arith.divsi %add3A_564, %jit3A_565 : i32
      %sign3A_567 = arith.constant 0 : i32
      %sign3A_568 = arith.cmpi sgt, %add3A_564, %sign3A_567 : i32
      %sign3A_569 = arith.extui %sign3A_568 : i1 to i32
      %sign3A_570 = arith.constant 0 : i32
      %sign3A_571 = arith.cmpi slt, %add3A_564, %sign3A_570 : i32
      %sign3A_572 = arith.extui %sign3A_571 : i1 to i32
      %sign3A_573 = arith.subi %sign3A_569, %sign3A_572 : i32
      %sign3A_574 = arith.constant 0 : i32
      %sign3A_575 = arith.cmpi sgt, %jit3A_565, %sign3A_574 : i32
      %sign3A_576 = arith.extui %sign3A_575 : i1 to i32
      %sign3A_577 = arith.constant 0 : i32
      %sign3A_578 = arith.cmpi slt, %jit3A_565, %sign3A_577 : i32
      %sign3A_579 = arith.extui %sign3A_578 : i1 to i32
      %sign3A_580 = arith.subi %sign3A_576, %sign3A_579 : i32
      %ne3A_581 = arith.cmpi ne, %sign3A_573, %sign3A_580 : i32
      %rem3A_582 = arith.remsi %add3A_564, %jit3A_565 : i32
      %ne3A_583 = arith.constant 0 : i32
      %ne3A_584 = arith.cmpi ne, %rem3A_582, %ne3A_583 : i32
      %and3A_585 = arith.andi %ne3A_581, %ne3A_584 : i1
      %sub3A_586 = arith.constant 1 : i32
      %sub3A_587 = arith.subi %div3A_566, %sub3A_586 : i32
      %select_n3A_588 = arith.select %and3A_585, %sub3A_587, %div3A_566 : i32
      %jit3A_589 = arith.constant 16 : i32
      %eq3A_590 = arith.constant 0 : i32
      %eq3A_591 = arith.cmpi eq, %jit3A_589, %eq3A_590 : i32
      %jit3A_592 = arith.constant 1 : i32
      %select_n3A_593 = arith.select %eq3A_591, %jit3A_592, %jit3A_589 : i32
      %rem3A_594 = arith.remsi %add3A_564, %select_n3A_593 : i32
      %ne3A_595 = arith.constant 0 : i32
      %ne3A_596 = arith.cmpi ne, %rem3A_594, %ne3A_595 : i32
      %lt3A_597 = arith.constant 0 : i32
      %lt3A_598 = arith.cmpi slt, %rem3A_594, %lt3A_597 : i32
      %lt3A_599 = arith.constant 0 : i32
      %lt3A_600 = arith.cmpi slt, %select_n3A_593, %lt3A_599 : i32
      %ne3A_601 = arith.xori %lt3A_598, %lt3A_600 : i1
      %and3A_602 = arith.andi %ne3A_601, %ne3A_596 : i1
      %add3A_603 = arith.addi %rem3A_594, %select_n3A_593 : i32
      %select_n3A_604 = arith.select %and3A_602, %add3A_603, %rem3A_594 : i32
      %jit3A_605 = arith.constant 2 : i32
      %div3A_606 = arith.divsi %select_n3A_604, %jit3A_605 : i32
      %sign3A_607 = arith.constant 0 : i32
      %sign3A_608 = arith.cmpi sgt, %select_n3A_604, %sign3A_607 : i32
      %sign3A_609 = arith.extui %sign3A_608 : i1 to i32
      %sign3A_610 = arith.constant 0 : i32
      %sign3A_611 = arith.cmpi slt, %select_n3A_604, %sign3A_610 : i32
      %sign3A_612 = arith.extui %sign3A_611 : i1 to i32
      %sign3A_613 = arith.subi %sign3A_609, %sign3A_612 : i32
      %sign3A_614 = arith.constant 0 : i32
      %sign3A_615 = arith.cmpi sgt, %jit3A_605, %sign3A_614 : i32
      %sign3A_616 = arith.extui %sign3A_615 : i1 to i32
      %sign3A_617 = arith.constant 0 : i32
      %sign3A_618 = arith.cmpi slt, %jit3A_605, %sign3A_617 : i32
      %sign3A_619 = arith.extui %sign3A_618 : i1 to i32
      %sign3A_620 = arith.subi %sign3A_616, %sign3A_619 : i32
      %ne3A_621 = arith.cmpi ne, %sign3A_613, %sign3A_620 : i32
      %rem3A_622 = arith.remsi %select_n3A_604, %jit3A_605 : i32
      %ne3A_623 = arith.constant 0 : i32
      %ne3A_624 = arith.cmpi ne, %rem3A_622, %ne3A_623 : i32
      %and3A_625 = arith.andi %ne3A_621, %ne3A_624 : i1
      %sub3A_626 = arith.constant 1 : i32
      %sub3A_627 = arith.subi %div3A_606, %sub3A_626 : i32
      %select_n3A_628 = arith.select %and3A_625, %sub3A_627, %div3A_606 : i32
      %jit3A_629 = arith.constant 2 : i32
      %eq3A_630 = arith.constant 0 : i32
      %eq3A_631 = arith.cmpi eq, %jit3A_629, %eq3A_630 : i32
      %jit3A_632 = arith.constant 1 : i32
      %select_n3A_633 = arith.select %eq3A_631, %jit3A_632, %jit3A_629 : i32
      %rem3A_634 = arith.remsi %select_n3A_604, %select_n3A_633 : i32
      %ne3A_635 = arith.constant 0 : i32
      %ne3A_636 = arith.cmpi ne, %rem3A_634, %ne3A_635 : i32
      %lt3A_637 = arith.constant 0 : i32
      %lt3A_638 = arith.cmpi slt, %rem3A_634, %lt3A_637 : i32
      %lt3A_639 = arith.constant 0 : i32
      %lt3A_640 = arith.cmpi slt, %select_n3A_633, %lt3A_639 : i32
      %ne3A_641 = arith.xori %lt3A_638, %lt3A_640 : i1
      %and3A_642 = arith.andi %ne3A_641, %ne3A_636 : i1
      %add3A_643 = arith.addi %rem3A_634, %select_n3A_633 : i32
      %select_n3A_644 = arith.select %and3A_642, %add3A_643, %rem3A_634 : i32
      %mul3A_645 = arith.constant 8 : i32
      %mul3A_646 = arith.muli %select_n3A_588, %mul3A_645 : i32
      %add3A_647 = arith.addi %mul3A_646, %select_n3A_628 : i32
      %dma_wait3A_648 = arith.constant 0 : i32
      %dma_wait3A_649 = arith.constant 0 : i32
      %dma_wait3A_650 = arith.constant 2 : i32
      %dma_wait3A_651 = arith.constant 0 : i32
      %dma_wait3A_652 = arith.constant 0 : i32
      %dma_wait3A_653 = tpu.memref_slice %arg6[%dma_wait3A_650, %dma_wait3A_651, %dma_wait3A_652] : memref<4x256x64xf32, #tpu.memory_space<vmem>> -> memref<1x128x64xf32, #tpu.memory_space<vmem>>
      %dma_wait3A_654 = tpu.memref_squeeze %dma_wait3A_653 : memref<1x128x64xf32, #tpu.memory_space<vmem>> -> memref<128x64xf32, #tpu.memory_space<vmem>>
      %dma_wait3A_655 = arith.constant 0 : i32
      %dma_wait3A_656 = tpu.memref_slice %arg5[%dma_wait3A_648, %dma_wait3A_649, %dma_wait3A_655] : memref<2x8x512xi32, #tpu.memory_space<vmem>> -> memref<1x1x128xi32, #tpu.memory_space<vmem>>
      %dma_wait3A_657 = tpu.memref_squeeze %dma_wait3A_656 : memref<1x1x128xi32, #tpu.memory_space<vmem>> -> memref<128xi32, #tpu.memory_space<vmem>>
      %dma_wait3A_658 = arith.constant 0 : i32
      %dma_wait3A_659 = arith.constant 0 : i32
      %dma_wait3A_660 = tpu.memref_slice %arg3[%dma_wait3A_658, %dma_wait3A_659] : memref<1000000x64xf32, #tpu.memory_space<hbm>> -> memref<1000000x64xf32, #tpu.memory_space<hbm>>
      tpu.wait_indirect_dma semaphore(%arg10 : memref<!tpu.dma_semaphore, #tpu.memory_space<semaphore_mem>>) src(%dma_wait3A_660 : memref<1000000x64xf32, #tpu.memory_space<hbm>>) dst(%dma_wait3A_654 : memref<128x64xf32, #tpu.memory_space<vmem>>)
      %dma_wait3A_661 = arith.constant 0 : i32
      %dma_wait3A_662 = arith.constant 0 : i32
      %dma_wait3A_663 = arith.constant 2 : i32
      %dma_wait3A_664 = arith.constant 128 : i32
      %dma_wait3A_665 = arith.constant 0 : i32
      %dma_wait3A_666 = tpu.memref_slice %arg6[%dma_wait3A_663, %dma_wait3A_664, %dma_wait3A_665] : memref<4x256x64xf32, #tpu.memory_space<vmem>> -> memref<1x128x64xf32, #tpu.memory_space<vmem>>
      %dma_wait3A_667 = tpu.memref_squeeze %dma_wait3A_666 : memref<1x128x64xf32, #tpu.memory_space<vmem>> -> memref<128x64xf32, #tpu.memory_space<vmem>>
      %dma_wait3A_668 = arith.constant 128 : i32
      %dma_wait3A_669 = tpu.memref_slice %arg5[%dma_wait3A_661, %dma_wait3A_662, %dma_wait3A_668] : memref<2x8x512xi32, #tpu.memory_space<vmem>> -> memref<1x1x128xi32, #tpu.memory_space<vmem>>
      %dma_wait3A_670 = tpu.memref_squeeze %dma_wait3A_669 : memref<1x1x128xi32, #tpu.memory_space<vmem>> -> memref<128xi32, #tpu.memory_space<vmem>>
      %dma_wait3A_671 = arith.constant 0 : i32
      %dma_wait3A_672 = arith.constant 0 : i32
      %dma_wait3A_673 = tpu.memref_slice %arg3[%dma_wait3A_671, %dma_wait3A_672] : memref<1000000x64xf32, #tpu.memory_space<hbm>> -> memref<1000000x64xf32, #tpu.memory_space<hbm>>
      tpu.wait_indirect_dma semaphore(%arg10 : memref<!tpu.dma_semaphore, #tpu.memory_space<semaphore_mem>>) src(%dma_wait3A_673 : memref<1000000x64xf32, #tpu.memory_space<hbm>>) dst(%dma_wait3A_667 : memref<128x64xf32, #tpu.memory_space<vmem>>)
      %jit3A_674 = arith.constant 16 : i32
      %div3A_675 = arith.divsi %add3A_564, %jit3A_674 : i32
      %sign3A_676 = arith.constant 0 : i32
      %sign3A_677 = arith.cmpi sgt, %add3A_564, %sign3A_676 : i32
      %sign3A_678 = arith.extui %sign3A_677 : i1 to i32
      %sign3A_679 = arith.constant 0 : i32
      %sign3A_680 = arith.cmpi slt, %add3A_564, %sign3A_679 : i32
      %sign3A_681 = arith.extui %sign3A_680 : i1 to i32
      %sign3A_682 = arith.subi %sign3A_678, %sign3A_681 : i32
      %sign3A_683 = arith.constant 0 : i32
      %sign3A_684 = arith.cmpi sgt, %jit3A_674, %sign3A_683 : i32
      %sign3A_685 = arith.extui %sign3A_684 : i1 to i32
      %sign3A_686 = arith.constant 0 : i32
      %sign3A_687 = arith.cmpi slt, %jit3A_674, %sign3A_686 : i32
      %sign3A_688 = arith.extui %sign3A_687 : i1 to i32
      %sign3A_689 = arith.subi %sign3A_685, %sign3A_688 : i32
      %ne3A_690 = arith.cmpi ne, %sign3A_682, %sign3A_689 : i32
      %rem3A_691 = arith.remsi %add3A_564, %jit3A_674 : i32
      %ne3A_692 = arith.constant 0 : i32
      %ne3A_693 = arith.cmpi ne, %rem3A_691, %ne3A_692 : i32
      %and3A_694 = arith.andi %ne3A_690, %ne3A_693 : i1
      %sub3A_695 = arith.constant 1 : i32
      %sub3A_696 = arith.subi %div3A_675, %sub3A_695 : i32
      %select_n3A_697 = arith.select %and3A_694, %sub3A_696, %div3A_675 : i32
      %jit3A_698 = arith.constant 16 : i32
      %eq3A_699 = arith.constant 0 : i32
      %eq3A_700 = arith.cmpi eq, %jit3A_698, %eq3A_699 : i32
      %jit3A_701 = arith.constant 1 : i32
      %select_n3A_702 = arith.select %eq3A_700, %jit3A_701, %jit3A_698 : i32
      %rem3A_703 = arith.remsi %add3A_564, %select_n3A_702 : i32
      %ne3A_704 = arith.constant 0 : i32
      %ne3A_705 = arith.cmpi ne, %rem3A_703, %ne3A_704 : i32
      %lt3A_706 = arith.constant 0 : i32
      %lt3A_707 = arith.cmpi slt, %rem3A_703, %lt3A_706 : i32
      %lt3A_708 = arith.constant 0 : i32
      %lt3A_709 = arith.cmpi slt, %select_n3A_702, %lt3A_708 : i32
      %ne3A_710 = arith.xori %lt3A_707, %lt3A_709 : i1
      %and3A_711 = arith.andi %ne3A_710, %ne3A_705 : i1
      %add3A_712 = arith.addi %rem3A_703, %select_n3A_702 : i32
      %select_n3A_713 = arith.select %and3A_711, %add3A_712, %rem3A_703 : i32
      %jit3A_714 = arith.constant 2 : i32
      %div3A_715 = arith.divsi %select_n3A_713, %jit3A_714 : i32
      %sign3A_716 = arith.constant 0 : i32
      %sign3A_717 = arith.cmpi sgt, %select_n3A_713, %sign3A_716 : i32
      %sign3A_718 = arith.extui %sign3A_717 : i1 to i32
      %sign3A_719 = arith.constant 0 : i32
      %sign3A_720 = arith.cmpi slt, %select_n3A_713, %sign3A_719 : i32
      %sign3A_721 = arith.extui %sign3A_720 : i1 to i32
      %sign3A_722 = arith.subi %sign3A_718, %sign3A_721 : i32
      %sign3A_723 = arith.constant 0 : i32
      %sign3A_724 = arith.cmpi sgt, %jit3A_714, %sign3A_723 : i32
      %sign3A_725 = arith.extui %sign3A_724 : i1 to i32
      %sign3A_726 = arith.constant 0 : i32
      %sign3A_727 = arith.cmpi slt, %jit3A_714, %sign3A_726 : i32
      %sign3A_728 = arith.extui %sign3A_727 : i1 to i32
      %sign3A_729 = arith.subi %sign3A_725, %sign3A_728 : i32
      %ne3A_730 = arith.cmpi ne, %sign3A_722, %sign3A_729 : i32
      %rem3A_731 = arith.remsi %select_n3A_713, %jit3A_714 : i32
      %ne3A_732 = arith.constant 0 : i32
      %ne3A_733 = arith.cmpi ne, %rem3A_731, %ne3A_732 : i32
      %and3A_734 = arith.andi %ne3A_730, %ne3A_733 : i1
      %sub3A_735 = arith.constant 1 : i32
      %sub3A_736 = arith.subi %div3A_715, %sub3A_735 : i32
      %select_n3A_737 = arith.select %and3A_734, %sub3A_736, %div3A_715 : i32
      %jit3A_738 = arith.constant 2 : i32
      %eq3A_739 = arith.constant 0 : i32
      %eq3A_740 = arith.cmpi eq, %jit3A_738, %eq3A_739 : i32
      %jit3A_741 = arith.constant 1 : i32
      %select_n3A_742 = arith.select %eq3A_740, %jit3A_741, %jit3A_738 : i32
      %rem3A_743 = arith.remsi %select_n3A_713, %select_n3A_742 : i32
      %ne3A_744 = arith.constant 0 : i32
      %ne3A_745 = arith.cmpi ne, %rem3A_743, %ne3A_744 : i32
      %lt3A_746 = arith.constant 0 : i32
      %lt3A_747 = arith.cmpi slt, %rem3A_743, %lt3A_746 : i32
      %lt3A_748 = arith.constant 0 : i32
      %lt3A_749 = arith.cmpi slt, %select_n3A_742, %lt3A_748 : i32
      %ne3A_750 = arith.xori %lt3A_747, %lt3A_749 : i1
      %and3A_751 = arith.andi %ne3A_750, %ne3A_745 : i1
      %add3A_752 = arith.addi %rem3A_743, %select_n3A_742 : i32
      %select_n3A_753 = arith.select %and3A_751, %add3A_752, %rem3A_743 : i32
      %mul3A_754 = arith.constant 8 : i32
      %mul3A_755 = arith.muli %select_n3A_697, %mul3A_754 : i32
      %add3A_756 = arith.addi %mul3A_755, %select_n3A_737 : i32
      %mul3A_757 = arith.constant 256 : i32
      %mul3A_758 = arith.muli %select_n3A_753, %mul3A_757 : i32
      %add3A_759 = arith.addi %mul3A_2, %mul3A_758 : i32
      %dma_start3A_760 = arith.constant 2 : i32
      %dma_start3A_761 = arith.constant 0 : i32
      %dma_start3A_762 = arith.constant 0 : i32
      %dma_start3A_763 = tpu.memref_slice %arg6[%dma_start3A_760, %dma_start3A_761, %dma_start3A_762] : memref<4x256x64xf32, #tpu.memory_space<vmem>> -> memref<1x256x64xf32, #tpu.memory_space<vmem>>
      %dma_start3A_764 = tpu.memref_squeeze %dma_start3A_763 : memref<1x256x64xf32, #tpu.memory_space<vmem>> -> memref<256x64xf32, #tpu.memory_space<vmem>>
      %dma_start3A_765 = arith.constant 0 : i32
      %dma_start3A_766 = tpu.memref_slice %arg4[%add3A_756, %add3A_759, %dma_start3A_765] : memref<200x16384x128xf32, #tpu.memory_space<hbm>> -> memref<1x256x64xf32, #tpu.memory_space<hbm>>
      %dma_start3A_767 = tpu.memref_squeeze %dma_start3A_766 : memref<1x256x64xf32, #tpu.memory_space<hbm>> -> memref<256x64xf32, #tpu.memory_space<hbm>>
      %dma_start3A_768 = arith.constant 0 : i32
      %dma_start3A_769 = tpu.memref_slice %arg4[%add3A_756, %add3A_759, %dma_start3A_768] : memref<200x16384x128xf32, #tpu.memory_space<hbm>> -> memref<1x256x64xf32, #tpu.memory_space<hbm>>
      %dma_start3A_770 = tpu.memref_squeeze %dma_start3A_769 : memref<1x256x64xf32, #tpu.memory_space<hbm>> -> memref<256x64xf32, #tpu.memory_space<hbm>>
      %dma_start3A_771 = arith.constant 0 : i32
      %dma_start3A_772 = arith.constant 0 : i32
      %dma_start3A_773 = tpu.memref_slice %arg6[%dma_start3A_760, %dma_start3A_771, %dma_start3A_772] : memref<4x256x64xf32, #tpu.memory_space<vmem>> -> memref<1x256x64xf32, #tpu.memory_space<vmem>>
      %dma_start3A_774 = tpu.memref_squeeze %dma_start3A_773 : memref<1x256x64xf32, #tpu.memory_space<vmem>> -> memref<256x64xf32, #tpu.memory_space<vmem>>
      tpu.enqueue_dma source(%dma_start3A_774 : memref<256x64xf32, #tpu.memory_space<vmem>>) target(%dma_start3A_770 : memref<256x64xf32, #tpu.memory_space<hbm>>) target_semaphore(%arg14 : memref<!tpu.dma_semaphore, #tpu.memory_space<semaphore_mem>>)
      %eq3A_775 = arith.constant 6 : i32
      %eq3A_776 = arith.cmpi eq, %select_n3A_604, %eq3A_775 : i32
      %add3A_777 = arith.constant 1 : i32
      %add3A_778 = arith.addi %select_n3A_588, %add3A_777 : i32
      %lt3A_779 = arith.constant 25 : i32
      %lt3A_780 = arith.cmpi slt, %add3A_778, %lt3A_779 : i32
      %and3A_781 = arith.andi %eq3A_776, %lt3A_780 : i1
      %convert_element_type3A_782 = arith.extui %and3A_781 : i1 to i32
      %cond3A_783 = arith.constant 0 : i32
      %cond3A_784 = arith.cmpi ne, %convert_element_type3A_782, %cond3A_783 : i32
      scf.if %cond3A_784 {
        %add3A_1023 = arith.constant 1 : i32
        %add3A_1024 = arith.addi %select_n3A_588, %add3A_1023 : i32
        %jit3A_1025 = arith.constant 2 : i32
        %eq3A_1026 = arith.constant 0 : i32
        %eq3A_1027 = arith.cmpi eq, %jit3A_1025, %eq3A_1026 : i32
        %jit3A_1028 = arith.constant 1 : i32
        %select_n3A_1029 = arith.select %eq3A_1027, %jit3A_1028, %jit3A_1025 : i32
        %rem3A_1030 = arith.remsi %add3A_1024, %select_n3A_1029 : i32
        %ne3A_1031 = arith.constant 0 : i32
        %ne3A_1032 = arith.cmpi ne, %rem3A_1030, %ne3A_1031 : i32
        %lt3A_1033 = arith.constant 0 : i32
        %lt3A_1034 = arith.cmpi slt, %rem3A_1030, %lt3A_1033 : i32
        %lt3A_1035 = arith.constant 0 : i32
        %lt3A_1036 = arith.cmpi slt, %select_n3A_1029, %lt3A_1035 : i32
        %ne3A_1037 = arith.xori %lt3A_1034, %lt3A_1036 : i1
        %and3A_1038 = arith.andi %ne3A_1037, %ne3A_1032 : i1
        %add3A_1039 = arith.addi %rem3A_1030, %select_n3A_1029 : i32
        %select_n3A_1040 = arith.select %and3A_1038, %add3A_1039, %rem3A_1030 : i32
        %eq3A_1041 = arith.constant 0 : i32
        %eq3A_1042 = arith.cmpi eq, %select_n3A_1040, %eq3A_1041 : i32
        %convert_element_type3A_1043 = arith.extui %eq3A_1042 : i1 to i32
        %cond3A_1044 = arith.constant 0 : i32
        %cond3A_1045 = arith.cmpi ne, %convert_element_type3A_1043, %cond3A_1044 : i32
        scf.if %cond3A_1045 {
          %mul3A_1051 = arith.constant 8 : i32
          %mul3A_1052 = arith.muli %add3A_1024, %mul3A_1051 : i32
          %dma_start3A_1053 = arith.constant 0 : i32
          %dma_start3A_1054 = arith.constant 0 : i32
          %dma_start3A_1055 = arith.constant 0 : i32
          %dma_start3A_1056 = tpu.memref_slice %arg5[%dma_start3A_1053, %dma_start3A_1054, %dma_start3A_1055] : memref<2x8x512xi32, #tpu.memory_space<vmem>> -> memref<1x8x512xi32, #tpu.memory_space<vmem>>
          %dma_start3A_1057 = tpu.memref_squeeze %dma_start3A_1056 : memref<1x8x512xi32, #tpu.memory_space<vmem>> -> memref<8x512xi32, #tpu.memory_space<vmem>>
          %dma_start3A_1058 = tpu.memref_slice %arg2[%mul3A_1052, %mul3A_2] : memref<200x16384xi32, #tpu.memory_space<hbm>> -> memref<8x512xi32, #tpu.memory_space<hbm>>
          %dma_start3A_1059 = arith.constant 0 : i32
          %dma_start3A_1060 = arith.constant 0 : i32
          %dma_start3A_1061 = tpu.memref_slice %arg5[%dma_start3A_1053, %dma_start3A_1059, %dma_start3A_1060] : memref<2x8x512xi32, #tpu.memory_space<vmem>> -> memref<1x8x512xi32, #tpu.memory_space<vmem>>
          %dma_start3A_1062 = tpu.memref_squeeze %dma_start3A_1061 : memref<1x8x512xi32, #tpu.memory_space<vmem>> -> memref<8x512xi32, #tpu.memory_space<vmem>>
          %dma_start3A_1063 = tpu.memref_slice %arg2[%mul3A_1052, %mul3A_2] : memref<200x16384xi32, #tpu.memory_space<hbm>> -> memref<8x512xi32, #tpu.memory_space<hbm>>
          tpu.enqueue_dma source(%dma_start3A_1063 : memref<8x512xi32, #tpu.memory_space<hbm>>) target(%dma_start3A_1062 : memref<8x512xi32, #tpu.memory_space<vmem>>) target_semaphore(%arg7 : memref<!tpu.dma_semaphore, #tpu.memory_space<semaphore_mem>>)
        } else {
        }
        %eq3A_1046 = arith.constant 1 : i32
        %eq3A_1047 = arith.cmpi eq, %select_n3A_1040, %eq3A_1046 : i32
        %convert_element_type3A_1048 = arith.extui %eq3A_1047 : i1 to i32
        %cond3A_1049 = arith.constant 0 : i32
        %cond3A_1050 = arith.cmpi ne, %convert_element_type3A_1048, %cond3A_1049 : i32
        scf.if %cond3A_1050 {
          %mul3A_1051 = arith.constant 8 : i32
          %mul3A_1052 = arith.muli %add3A_1024, %mul3A_1051 : i32
          %dma_start3A_1053 = arith.constant 1 : i32
          %dma_start3A_1054 = arith.constant 0 : i32
          %dma_start3A_1055 = arith.constant 0 : i32
          %dma_start3A_1056 = tpu.memref_slice %arg5[%dma_start3A_1053, %dma_start3A_1054, %dma_start3A_1055] : memref<2x8x512xi32, #tpu.memory_space<vmem>> -> memref<1x8x512xi32, #tpu.memory_space<vmem>>
          %dma_start3A_1057 = tpu.memref_squeeze %dma_start3A_1056 : memref<1x8x512xi32, #tpu.memory_space<vmem>> -> memref<8x512xi32, #tpu.memory_space<vmem>>
          %dma_start3A_1058 = tpu.memref_slice %arg2[%mul3A_1052, %mul3A_2] : memref<200x16384xi32, #tpu.memory_space<hbm>> -> memref<8x512xi32, #tpu.memory_space<hbm>>
          %dma_start3A_1059 = arith.constant 0 : i32
          %dma_start3A_1060 = arith.constant 0 : i32
          %dma_start3A_1061 = tpu.memref_slice %arg5[%dma_start3A_1053, %dma_start3A_1059, %dma_start3A_1060] : memref<2x8x512xi32, #tpu.memory_space<vmem>> -> memref<1x8x512xi32, #tpu.memory_space<vmem>>
          %dma_start3A_1062 = tpu.memref_squeeze %dma_start3A_1061 : memref<1x8x512xi32, #tpu.memory_space<vmem>> -> memref<8x512xi32, #tpu.memory_space<vmem>>
          %dma_start3A_1063 = tpu.memref_slice %arg2[%mul3A_1052, %mul3A_2] : memref<200x16384xi32, #tpu.memory_space<hbm>> -> memref<8x512xi32, #tpu.memory_space<hbm>>
          tpu.enqueue_dma source(%dma_start3A_1063 : memref<8x512xi32, #tpu.memory_space<hbm>>) target(%dma_start3A_1062 : memref<8x512xi32, #tpu.memory_space<vmem>>) target_semaphore(%arg7 : memref<!tpu.dma_semaphore, #tpu.memory_space<semaphore_mem>>)
        } else {
        }
      } else {
      }
      %eq3A_785 = arith.constant 14 : i32
      %eq3A_786 = arith.cmpi eq, %select_n3A_604, %eq3A_785 : i32
      %add3A_787 = arith.constant 1 : i32
      %add3A_788 = arith.addi %select_n3A_588, %add3A_787 : i32
      %lt3A_789 = arith.constant 25 : i32
      %lt3A_790 = arith.cmpi slt, %add3A_788, %lt3A_789 : i32
      %and3A_791 = arith.andi %eq3A_786, %lt3A_790 : i1
      %convert_element_type3A_792 = arith.extui %and3A_791 : i1 to i32
      %cond3A_793 = arith.constant 0 : i32
      %cond3A_794 = arith.cmpi ne, %convert_element_type3A_792, %cond3A_793 : i32
      scf.if %cond3A_794 {
        %dma_wait3A_1023 = arith.constant 0 : i32
        %dma_wait3A_1024 = arith.constant 0 : i32
        %dma_wait3A_1025 = arith.constant 0 : i32
        %dma_wait3A_1026 = tpu.memref_slice %arg5[%dma_wait3A_1023, %dma_wait3A_1024, %dma_wait3A_1025] : memref<2x8x512xi32, #tpu.memory_space<vmem>> -> memref<1x8x512xi32, #tpu.memory_space<vmem>>
        %dma_wait3A_1027 = tpu.memref_squeeze %dma_wait3A_1026 : memref<1x8x512xi32, #tpu.memory_space<vmem>> -> memref<8x512xi32, #tpu.memory_space<vmem>>
        %dma_wait3A_1028 = arith.constant 0 : i32
        %dma_wait3A_1029 = tpu.memref_slice %arg2[%dma_wait3A_1028, %mul3A_2] : memref<200x16384xi32, #tpu.memory_space<hbm>> -> memref<8x512xi32, #tpu.memory_space<hbm>>
        %dma_wait3A_1030 = arith.constant 0 : i32
        %dma_wait3A_1031 = arith.constant 0 : i32
        %dma_wait3A_1032 = tpu.memref_slice %arg5[%dma_wait3A_1023, %dma_wait3A_1030, %dma_wait3A_1031] : memref<2x8x512xi32, #tpu.memory_space<vmem>> -> memref<1x8x512xi32, #tpu.memory_space<vmem>>
        %dma_wait3A_1033 = tpu.memref_squeeze %dma_wait3A_1032 : memref<1x8x512xi32, #tpu.memory_space<vmem>> -> memref<8x512xi32, #tpu.memory_space<vmem>>
        %dma_wait3A_1034 = arith.constant 0 : i32
        %dma_wait3A_1035 = tpu.memref_slice %arg2[%dma_wait3A_1034, %mul3A_2] : memref<200x16384xi32, #tpu.memory_space<hbm>> -> memref<8x512xi32, #tpu.memory_space<hbm>>
        tpu.wait_dma2 semaphore(%arg7 : memref<!tpu.dma_semaphore, #tpu.memory_space<semaphore_mem>>) src(%dma_wait3A_1035 : memref<8x512xi32, #tpu.memory_space<hbm>>) dst(%dma_wait3A_1033 : memref<8x512xi32, #tpu.memory_space<vmem>>)
      } else {
      }
      %add3A_795 = arith.constant 2 : i32
      %add3A_796 = arith.addi %add3A_564, %add3A_795 : i32
      %lt3A_797 = arith.constant 400 : i32
      %lt3A_798 = arith.cmpi slt, %add3A_796, %lt3A_797 : i32
      %convert_element_type3A_799 = arith.extui %lt3A_798 : i1 to i32
      %cond3A_800 = arith.constant 0 : i32
      %cond3A_801 = arith.cmpi ne, %convert_element_type3A_799, %cond3A_800 : i32
      scf.if %cond3A_801 {
        %ge3A = arith.constant 2 : i32
        %ge3A_1023 = arith.cmpi sge, %add3A_564, %ge3A : i32
        %convert_element_type3A_1024 = arith.extui %ge3A_1023 : i1 to i32
        %cond3A_1025 = arith.constant 0 : i32
        %cond3A_1026 = arith.cmpi ne, %convert_element_type3A_1024, %cond3A_1025 : i32
        scf.if %cond3A_1026 {
          %dma_wait3A_1138 = arith.constant 0 : i32
          %dma_wait3A_1139 = arith.constant 0 : i32
          %dma_wait3A_1140 = arith.constant 0 : i32
          %dma_wait3A_1141 = arith.constant 0 : i32
          %dma_wait3A_1142 = tpu.memref_slice %arg6[%dma_wait3A_1138, %dma_wait3A_1140, %dma_wait3A_1141] : memref<4x256x64xf32, #tpu.memory_space<vmem>> -> memref<1x256x64xf32, #tpu.memory_space<vmem>>
          %dma_wait3A_1143 = tpu.memref_squeeze %dma_wait3A_1142 : memref<1x256x64xf32, #tpu.memory_space<vmem>> -> memref<256x64xf32, #tpu.memory_space<vmem>>
          %dma_wait3A_1144 = arith.constant 0 : i32
          %dma_wait3A_1145 = arith.constant 0 : i32
          %dma_wait3A_1146 = tpu.memref_slice %arg4[%dma_wait3A_1139, %dma_wait3A_1144, %dma_wait3A_1145] : memref<200x16384x128xf32, #tpu.memory_space<hbm>> -> memref<1x256x64xf32, #tpu.memory_space<hbm>>
          %dma_wait3A_1147 = tpu.memref_squeeze %dma_wait3A_1146 : memref<1x256x64xf32, #tpu.memory_space<hbm>> -> memref<256x64xf32, #tpu.memory_space<hbm>>
          %dma_wait3A_1148 = arith.constant 0 : i32
          %dma_wait3A_1149 = arith.constant 0 : i32
          %dma_wait3A_1150 = tpu.memref_slice %arg4[%dma_wait3A_1139, %dma_wait3A_1148, %dma_wait3A_1149] : memref<200x16384x128xf32, #tpu.memory_space<hbm>> -> memref<1x256x64xf32, #tpu.memory_space<hbm>>
          %dma_wait3A_1151 = tpu.memref_squeeze %dma_wait3A_1150 : memref<1x256x64xf32, #tpu.memory_space<hbm>> -> memref<256x64xf32, #tpu.memory_space<hbm>>
          %dma_wait3A_1152 = arith.constant 0 : i32
          %dma_wait3A_1153 = arith.constant 0 : i32
          %dma_wait3A_1154 = tpu.memref_slice %arg6[%dma_wait3A_1138, %dma_wait3A_1152, %dma_wait3A_1153] : memref<4x256x64xf32, #tpu.memory_space<vmem>> -> memref<1x256x64xf32, #tpu.memory_space<vmem>>
          %dma_wait3A_1155 = tpu.memref_squeeze %dma_wait3A_1154 : memref<1x256x64xf32, #tpu.memory_space<vmem>> -> memref<256x64xf32, #tpu.memory_space<vmem>>
          tpu.wait_dma2 semaphore(%arg12 : memref<!tpu.dma_semaphore, #tpu.memory_space<semaphore_mem>>) src(%dma_wait3A_1155 : memref<256x64xf32, #tpu.memory_space<vmem>>) dst(%dma_wait3A_1151 : memref<256x64xf32, #tpu.memory_space<hbm>>)
        } else {
        }
        %add3A_1027 = arith.constant 2 : i32
        %add3A_1028 = arith.addi %add3A_564, %add3A_1027 : i32
        %jit3A_1029 = arith.constant 16 : i32
        %div3A_1030 = arith.divsi %add3A_1028, %jit3A_1029 : i32
        %sign3A_1031 = arith.constant 0 : i32
        %sign3A_1032 = arith.cmpi sgt, %add3A_1028, %sign3A_1031 : i32
        %sign3A_1033 = arith.extui %sign3A_1032 : i1 to i32
        %sign3A_1034 = arith.constant 0 : i32
        %sign3A_1035 = arith.cmpi slt, %add3A_1028, %sign3A_1034 : i32
        %sign3A_1036 = arith.extui %sign3A_1035 : i1 to i32
        %sign3A_1037 = arith.subi %sign3A_1033, %sign3A_1036 : i32
        %sign3A_1038 = arith.constant 0 : i32
        %sign3A_1039 = arith.cmpi sgt, %jit3A_1029, %sign3A_1038 : i32
        %sign3A_1040 = arith.extui %sign3A_1039 : i1 to i32
        %sign3A_1041 = arith.constant 0 : i32
        %sign3A_1042 = arith.cmpi slt, %jit3A_1029, %sign3A_1041 : i32
        %sign3A_1043 = arith.extui %sign3A_1042 : i1 to i32
        %sign3A_1044 = arith.subi %sign3A_1040, %sign3A_1043 : i32
        %ne3A_1045 = arith.cmpi ne, %sign3A_1037, %sign3A_1044 : i32
        %rem3A_1046 = arith.remsi %add3A_1028, %jit3A_1029 : i32
        %ne3A_1047 = arith.constant 0 : i32
        %ne3A_1048 = arith.cmpi ne, %rem3A_1046, %ne3A_1047 : i32
        %and3A_1049 = arith.andi %ne3A_1045, %ne3A_1048 : i1
        %sub3A_1050 = arith.constant 1 : i32
        %sub3A_1051 = arith.subi %div3A_1030, %sub3A_1050 : i32
        %select_n3A_1052 = arith.select %and3A_1049, %sub3A_1051, %div3A_1030 : i32
        %jit3A_1053 = arith.constant 16 : i32
        %eq3A_1054 = arith.constant 0 : i32
        %eq3A_1055 = arith.cmpi eq, %jit3A_1053, %eq3A_1054 : i32
        %jit3A_1056 = arith.constant 1 : i32
        %select_n3A_1057 = arith.select %eq3A_1055, %jit3A_1056, %jit3A_1053 : i32
        %rem3A_1058 = arith.remsi %add3A_1028, %select_n3A_1057 : i32
        %ne3A_1059 = arith.constant 0 : i32
        %ne3A_1060 = arith.cmpi ne, %rem3A_1058, %ne3A_1059 : i32
        %lt3A_1061 = arith.constant 0 : i32
        %lt3A_1062 = arith.cmpi slt, %rem3A_1058, %lt3A_1061 : i32
        %lt3A_1063 = arith.constant 0 : i32
        %lt3A_1064 = arith.cmpi slt, %select_n3A_1057, %lt3A_1063 : i32
        %ne3A_1065 = arith.xori %lt3A_1062, %lt3A_1064 : i1
        %and3A_1066 = arith.andi %ne3A_1065, %ne3A_1060 : i1
        %add3A_1067 = arith.addi %rem3A_1058, %select_n3A_1057 : i32
        %select_n3A_1068 = arith.select %and3A_1066, %add3A_1067, %rem3A_1058 : i32
        %jit3A_1069 = arith.constant 2 : i32
        %div3A_1070 = arith.divsi %select_n3A_1068, %jit3A_1069 : i32
        %sign3A_1071 = arith.constant 0 : i32
        %sign3A_1072 = arith.cmpi sgt, %select_n3A_1068, %sign3A_1071 : i32
        %sign3A_1073 = arith.extui %sign3A_1072 : i1 to i32
        %sign3A_1074 = arith.constant 0 : i32
        %sign3A_1075 = arith.cmpi slt, %select_n3A_1068, %sign3A_1074 : i32
        %sign3A_1076 = arith.extui %sign3A_1075 : i1 to i32
        %sign3A_1077 = arith.subi %sign3A_1073, %sign3A_1076 : i32
        %sign3A_1078 = arith.constant 0 : i32
        %sign3A_1079 = arith.cmpi sgt, %jit3A_1069, %sign3A_1078 : i32
        %sign3A_1080 = arith.extui %sign3A_1079 : i1 to i32
        %sign3A_1081 = arith.constant 0 : i32
        %sign3A_1082 = arith.cmpi slt, %jit3A_1069, %sign3A_1081 : i32
        %sign3A_1083 = arith.extui %sign3A_1082 : i1 to i32
        %sign3A_1084 = arith.subi %sign3A_1080, %sign3A_1083 : i32
        %ne3A_1085 = arith.cmpi ne, %sign3A_1077, %sign3A_1084 : i32
        %rem3A_1086 = arith.remsi %select_n3A_1068, %jit3A_1069 : i32
        %ne3A_1087 = arith.constant 0 : i32
        %ne3A_1088 = arith.cmpi ne, %rem3A_1086, %ne3A_1087 : i32
        %and3A_1089 = arith.andi %ne3A_1085, %ne3A_1088 : i1
        %sub3A_1090 = arith.constant 1 : i32
        %sub3A_1091 = arith.subi %div3A_1070, %sub3A_1090 : i32
        %select_n3A_1092 = arith.select %and3A_1089, %sub3A_1091, %div3A_1070 : i32
        %jit3A_1093 = arith.constant 2 : i32
        %eq3A_1094 = arith.constant 0 : i32
        %eq3A_1095 = arith.cmpi eq, %jit3A_1093, %eq3A_1094 : i32
        %jit3A_1096 = arith.constant 1 : i32
        %select_n3A_1097 = arith.select %eq3A_1095, %jit3A_1096, %jit3A_1093 : i32
        %rem3A_1098 = arith.remsi %select_n3A_1068, %select_n3A_1097 : i32
        %ne3A_1099 = arith.constant 0 : i32
        %ne3A_1100 = arith.cmpi ne, %rem3A_1098, %ne3A_1099 : i32
        %lt3A_1101 = arith.constant 0 : i32
        %lt3A_1102 = arith.cmpi slt, %rem3A_1098, %lt3A_1101 : i32
        %lt3A_1103 = arith.constant 0 : i32
        %lt3A_1104 = arith.cmpi slt, %select_n3A_1097, %lt3A_1103 : i32
        %ne3A_1105 = arith.xori %lt3A_1102, %lt3A_1104 : i1
        %and3A_1106 = arith.andi %ne3A_1105, %ne3A_1100 : i1
        %add3A_1107 = arith.addi %rem3A_1098, %select_n3A_1097 : i32
        %select_n3A_1108 = arith.select %and3A_1106, %add3A_1107, %rem3A_1098 : i32
        %mul3A_1109 = arith.constant 8 : i32
        %mul3A_1110 = arith.muli %select_n3A_1052, %mul3A_1109 : i32
        %add3A_1111 = arith.addi %mul3A_1110, %select_n3A_1092 : i32
        %jit3A_1112 = arith.constant 2 : i32
        %eq3A_1113 = arith.constant 0 : i32
        %eq3A_1114 = arith.cmpi eq, %jit3A_1112, %eq3A_1113 : i32
        %jit3A_1115 = arith.constant 1 : i32
        %select_n3A_1116 = arith.select %eq3A_1114, %jit3A_1115, %jit3A_1112 : i32
        %rem3A_1117 = arith.remsi %select_n3A_1052, %select_n3A_1116 : i32
        %ne3A_1118 = arith.constant 0 : i32
        %ne3A_1119 = arith.cmpi ne, %rem3A_1117, %ne3A_1118 : i32
        %lt3A_1120 = arith.constant 0 : i32
        %lt3A_1121 = arith.cmpi slt, %rem3A_1117, %lt3A_1120 : i32
        %lt3A_1122 = arith.constant 0 : i32
        %lt3A_1123 = arith.cmpi slt, %select_n3A_1116, %lt3A_1122 : i32
        %ne3A_1124 = arith.xori %lt3A_1121, %lt3A_1123 : i1
        %and3A_1125 = arith.andi %ne3A_1124, %ne3A_1119 : i1
        %add3A_1126 = arith.addi %rem3A_1117, %select_n3A_1116 : i32
        %select_n3A_1127 = arith.select %and3A_1125, %add3A_1126, %rem3A_1117 : i32
        %eq3A_1128 = arith.constant 0 : i32
        %eq3A_1129 = arith.cmpi eq, %select_n3A_1127, %eq3A_1128 : i32
        %convert_element_type3A_1130 = arith.extui %eq3A_1129 : i1 to i32
        %cond3A_1131 = arith.constant 0 : i32
        %cond3A_1132 = arith.cmpi ne, %convert_element_type3A_1130, %cond3A_1131 : i32
        scf.if %cond3A_1132 {
          %mul3A_1138 = arith.constant 256 : i32
          %mul3A_1139 = arith.muli %select_n3A_1108, %mul3A_1138 : i32
          %add3A_1140 = arith.constant 0 : i32
          %add3A_1141 = arith.addi %mul3A_1139, %add3A_1140 : i32
          %dma_start3A_1142 = arith.constant 0 : i32
          %dma_start3A_1143 = arith.constant 0 : i32
          %dma_start3A_1144 = arith.constant 0 : i32
          %dma_start3A_1145 = arith.constant 0 : i32
          %dma_start3A_1146 = tpu.memref_slice %arg6[%dma_start3A_1143, %dma_start3A_1144, %dma_start3A_1145] : memref<4x256x64xf32, #tpu.memory_space<vmem>> -> memref<1x128x64xf32, #tpu.memory_space<vmem>>
          %dma_start3A_1147 = tpu.memref_squeeze %dma_start3A_1146 : memref<1x128x64xf32, #tpu.memory_space<vmem>> -> memref<128x64xf32, #tpu.memory_space<vmem>>
          %dma_start3A_1148 = tpu.memref_slice %arg5[%dma_start3A_1142, %select_n3A_1092, %add3A_1141] : memref<2x8x512xi32, #tpu.memory_space<vmem>> -> memref<1x1x128xi32, #tpu.memory_space<vmem>>
          %dma_start3A_1149 = tpu.memref_squeeze %dma_start3A_1148 : memref<1x1x128xi32, #tpu.memory_space<vmem>> -> memref<128xi32, #tpu.memory_space<vmem>>
          %dma_start3A_1150 = arith.constant 0 : i32
          %dma_start3A_1151 = arith.constant 0 : i32
          %dma_start3A_1152 = tpu.memref_slice %arg3[%dma_start3A_1150, %dma_start3A_1151] : memref<1000000x64xf32, #tpu.memory_space<hbm>> -> memref<1000000x64xf32, #tpu.memory_space<hbm>>
          tpu.enqueue_indirect_dma source(%dma_start3A_1152 : memref<1000000x64xf32, #tpu.memory_space<hbm>>) target(%dma_start3A_1147 : memref<128x64xf32, #tpu.memory_space<vmem>>) offsets(%dma_start3A_1149 : memref<128xi32, #tpu.memory_space<vmem>>) semaphore(%arg8 : memref<!tpu.dma_semaphore, #tpu.memory_space<semaphore_mem>>)
          %mul3A_1153 = arith.constant 256 : i32
          %mul3A_1154 = arith.muli %select_n3A_1108, %mul3A_1153 : i32
          %add3A_1155 = arith.constant 128 : i32
          %add3A_1156 = arith.addi %mul3A_1154, %add3A_1155 : i32
          %dma_start3A_1157 = arith.constant 0 : i32
          %dma_start3A_1158 = arith.constant 0 : i32
          %dma_start3A_1159 = arith.constant 128 : i32
          %dma_start3A_1160 = arith.constant 0 : i32
          %dma_start3A_1161 = tpu.memref_slice %arg6[%dma_start3A_1158, %dma_start3A_1159, %dma_start3A_1160] : memref<4x256x64xf32, #tpu.memory_space<vmem>> -> memref<1x128x64xf32, #tpu.memory_space<vmem>>
          %dma_start3A_1162 = tpu.memref_squeeze %dma_start3A_1161 : memref<1x128x64xf32, #tpu.memory_space<vmem>> -> memref<128x64xf32, #tpu.memory_space<vmem>>
          %dma_start3A_1163 = tpu.memref_slice %arg5[%dma_start3A_1157, %select_n3A_1092, %add3A_1156] : memref<2x8x512xi32, #tpu.memory_space<vmem>> -> memref<1x1x128xi32, #tpu.memory_space<vmem>>
          %dma_start3A_1164 = tpu.memref_squeeze %dma_start3A_1163 : memref<1x1x128xi32, #tpu.memory_space<vmem>> -> memref<128xi32, #tpu.memory_space<vmem>>
          %dma_start3A_1165 = arith.constant 0 : i32
          %dma_start3A_1166 = arith.constant 0 : i32
          %dma_start3A_1167 = tpu.memref_slice %arg3[%dma_start3A_1165, %dma_start3A_1166] : memref<1000000x64xf32, #tpu.memory_space<hbm>> -> memref<1000000x64xf32, #tpu.memory_space<hbm>>
          tpu.enqueue_indirect_dma source(%dma_start3A_1167 : memref<1000000x64xf32, #tpu.memory_space<hbm>>) target(%dma_start3A_1162 : memref<128x64xf32, #tpu.memory_space<vmem>>) offsets(%dma_start3A_1164 : memref<128xi32, #tpu.memory_space<vmem>>) semaphore(%arg8 : memref<!tpu.dma_semaphore, #tpu.memory_space<semaphore_mem>>)
        } else {
        }
        %eq3A_1133 = arith.constant 1 : i32
        %eq3A_1134 = arith.cmpi eq, %select_n3A_1127, %eq3A_1133 : i32
        %convert_element_type3A_1135 = arith.extui %eq3A_1134 : i1 to i32
        %cond3A_1136 = arith.constant 0 : i32
        %cond3A_1137 = arith.cmpi ne, %convert_element_type3A_1135, %cond3A_1136 : i32
        scf.if %cond3A_1137 {
          %mul3A_1138 = arith.constant 256 : i32
          %mul3A_1139 = arith.muli %select_n3A_1108, %mul3A_1138 : i32
          %add3A_1140 = arith.constant 0 : i32
          %add3A_1141 = arith.addi %mul3A_1139, %add3A_1140 : i32
          %dma_start3A_1142 = arith.constant 1 : i32
          %dma_start3A_1143 = arith.constant 0 : i32
          %dma_start3A_1144 = arith.constant 0 : i32
          %dma_start3A_1145 = arith.constant 0 : i32
          %dma_start3A_1146 = tpu.memref_slice %arg6[%dma_start3A_1143, %dma_start3A_1144, %dma_start3A_1145] : memref<4x256x64xf32, #tpu.memory_space<vmem>> -> memref<1x128x64xf32, #tpu.memory_space<vmem>>
          %dma_start3A_1147 = tpu.memref_squeeze %dma_start3A_1146 : memref<1x128x64xf32, #tpu.memory_space<vmem>> -> memref<128x64xf32, #tpu.memory_space<vmem>>
          %dma_start3A_1148 = tpu.memref_slice %arg5[%dma_start3A_1142, %select_n3A_1092, %add3A_1141] : memref<2x8x512xi32, #tpu.memory_space<vmem>> -> memref<1x1x128xi32, #tpu.memory_space<vmem>>
          %dma_start3A_1149 = tpu.memref_squeeze %dma_start3A_1148 : memref<1x1x128xi32, #tpu.memory_space<vmem>> -> memref<128xi32, #tpu.memory_space<vmem>>
          %dma_start3A_1150 = arith.constant 0 : i32
          %dma_start3A_1151 = arith.constant 0 : i32
          %dma_start3A_1152 = tpu.memref_slice %arg3[%dma_start3A_1150, %dma_start3A_1151] : memref<1000000x64xf32, #tpu.memory_space<hbm>> -> memref<1000000x64xf32, #tpu.memory_space<hbm>>
          tpu.enqueue_indirect_dma source(%dma_start3A_1152 : memref<1000000x64xf32, #tpu.memory_space<hbm>>) target(%dma_start3A_1147 : memref<128x64xf32, #tpu.memory_space<vmem>>) offsets(%dma_start3A_1149 : memref<128xi32, #tpu.memory_space<vmem>>) semaphore(%arg8 : memref<!tpu.dma_semaphore, #tpu.memory_space<semaphore_mem>>)
          %mul3A_1153 = arith.constant 256 : i32
          %mul3A_1154 = arith.muli %select_n3A_1108, %mul3A_1153 : i32
          %add3A_1155 = arith.constant 128 : i32
          %add3A_1156 = arith.addi %mul3A_1154, %add3A_1155 : i32
          %dma_start3A_1157 = arith.constant 1 : i32
          %dma_start3A_1158 = arith.constant 0 : i32
          %dma_start3A_1159 = arith.constant 128 : i32
          %dma_start3A_1160 = arith.constant 0 : i32
          %dma_start3A_1161 = tpu.memref_slice %arg6[%dma_start3A_1158, %dma_start3A_1159, %dma_start3A_1160] : memref<4x256x64xf32, #tpu.memory_space<vmem>> -> memref<1x128x64xf32, #tpu.memory_space<vmem>>
          %dma_start3A_1162 = tpu.memref_squeeze %dma_start3A_1161 : memref<1x128x64xf32, #tpu.memory_space<vmem>> -> memref<128x64xf32, #tpu.memory_space<vmem>>
          %dma_start3A_1163 = tpu.memref_slice %arg5[%dma_start3A_1157, %select_n3A_1092, %add3A_1156] : memref<2x8x512xi32, #tpu.memory_space<vmem>> -> memref<1x1x128xi32, #tpu.memory_space<vmem>>
          %dma_start3A_1164 = tpu.memref_squeeze %dma_start3A_1163 : memref<1x1x128xi32, #tpu.memory_space<vmem>> -> memref<128xi32, #tpu.memory_space<vmem>>
          %dma_start3A_1165 = arith.constant 0 : i32
          %dma_start3A_1166 = arith.constant 0 : i32
          %dma_start3A_1167 = tpu.memref_slice %arg3[%dma_start3A_1165, %dma_start3A_1166] : memref<1000000x64xf32, #tpu.memory_space<hbm>> -> memref<1000000x64xf32, #tpu.memory_space<hbm>>
          tpu.enqueue_indirect_dma source(%dma_start3A_1167 : memref<1000000x64xf32, #tpu.memory_space<hbm>>) target(%dma_start3A_1162 : memref<128x64xf32, #tpu.memory_space<vmem>>) offsets(%dma_start3A_1164 : memref<128xi32, #tpu.memory_space<vmem>>) semaphore(%arg8 : memref<!tpu.dma_semaphore, #tpu.memory_space<semaphore_mem>>)
        } else {
        }
      } else {
      }
      %mul3A_802 = arith.constant 4 : i32
      %mul3A_803 = arith.muli %mul3A_802, %scan3A_130 : i32
      %add3A_804 = arith.constant 3 : i32
      %add3A_805 = arith.addi %mul3A_803, %add3A_804 : i32
      %jit3A_806 = arith.constant 16 : i32
      %div3A_807 = arith.divsi %add3A_805, %jit3A_806 : i32
      %sign3A_808 = arith.constant 0 : i32
      %sign3A_809 = arith.cmpi sgt, %add3A_805, %sign3A_808 : i32
      %sign3A_810 = arith.extui %sign3A_809 : i1 to i32
      %sign3A_811 = arith.constant 0 : i32
      %sign3A_812 = arith.cmpi slt, %add3A_805, %sign3A_811 : i32
      %sign3A_813 = arith.extui %sign3A_812 : i1 to i32
      %sign3A_814 = arith.subi %sign3A_810, %sign3A_813 : i32
      %sign3A_815 = arith.constant 0 : i32
      %sign3A_816 = arith.cmpi sgt, %jit3A_806, %sign3A_815 : i32
      %sign3A_817 = arith.extui %sign3A_816 : i1 to i32
      %sign3A_818 = arith.constant 0 : i32
      %sign3A_819 = arith.cmpi slt, %jit3A_806, %sign3A_818 : i32
      %sign3A_820 = arith.extui %sign3A_819 : i1 to i32
      %sign3A_821 = arith.subi %sign3A_817, %sign3A_820 : i32
      %ne3A_822 = arith.cmpi ne, %sign3A_814, %sign3A_821 : i32
      %rem3A_823 = arith.remsi %add3A_805, %jit3A_806 : i32
      %ne3A_824 = arith.constant 0 : i32
      %ne3A_825 = arith.cmpi ne, %rem3A_823, %ne3A_824 : i32
      %and3A_826 = arith.andi %ne3A_822, %ne3A_825 : i1
      %sub3A_827 = arith.constant 1 : i32
      %sub3A_828 = arith.subi %div3A_807, %sub3A_827 : i32
      %select_n3A_829 = arith.select %and3A_826, %sub3A_828, %div3A_807 : i32
      %jit3A_830 = arith.constant 16 : i32
      %eq3A_831 = arith.constant 0 : i32
      %eq3A_832 = arith.cmpi eq, %jit3A_830, %eq3A_831 : i32
      %jit3A_833 = arith.constant 1 : i32
      %select_n3A_834 = arith.select %eq3A_832, %jit3A_833, %jit3A_830 : i32
      %rem3A_835 = arith.remsi %add3A_805, %select_n3A_834 : i32
      %ne3A_836 = arith.constant 0 : i32
      %ne3A_837 = arith.cmpi ne, %rem3A_835, %ne3A_836 : i32
      %lt3A_838 = arith.constant 0 : i32
      %lt3A_839 = arith.cmpi slt, %rem3A_835, %lt3A_838 : i32
      %lt3A_840 = arith.constant 0 : i32
      %lt3A_841 = arith.cmpi slt, %select_n3A_834, %lt3A_840 : i32
      %ne3A_842 = arith.xori %lt3A_839, %lt3A_841 : i1
      %and3A_843 = arith.andi %ne3A_842, %ne3A_837 : i1
      %add3A_844 = arith.addi %rem3A_835, %select_n3A_834 : i32
      %select_n3A_845 = arith.select %and3A_843, %add3A_844, %rem3A_835 : i32
      %jit3A_846 = arith.constant 2 : i32
      %div3A_847 = arith.divsi %select_n3A_845, %jit3A_846 : i32
      %sign3A_848 = arith.constant 0 : i32
      %sign3A_849 = arith.cmpi sgt, %select_n3A_845, %sign3A_848 : i32
      %sign3A_850 = arith.extui %sign3A_849 : i1 to i32
      %sign3A_851 = arith.constant 0 : i32
      %sign3A_852 = arith.cmpi slt, %select_n3A_845, %sign3A_851 : i32
      %sign3A_853 = arith.extui %sign3A_852 : i1 to i32
      %sign3A_854 = arith.subi %sign3A_850, %sign3A_853 : i32
      %sign3A_855 = arith.constant 0 : i32
      %sign3A_856 = arith.cmpi sgt, %jit3A_846, %sign3A_855 : i32
      %sign3A_857 = arith.extui %sign3A_856 : i1 to i32
      %sign3A_858 = arith.constant 0 : i32
      %sign3A_859 = arith.cmpi slt, %jit3A_846, %sign3A_858 : i32
      %sign3A_860 = arith.extui %sign3A_859 : i1 to i32
      %sign3A_861 = arith.subi %sign3A_857, %sign3A_860 : i32
      %ne3A_862 = arith.cmpi ne, %sign3A_854, %sign3A_861 : i32
      %rem3A_863 = arith.remsi %select_n3A_845, %jit3A_846 : i32
      %ne3A_864 = arith.constant 0 : i32
      %ne3A_865 = arith.cmpi ne, %rem3A_863, %ne3A_864 : i32
      %and3A_866 = arith.andi %ne3A_862, %ne3A_865 : i1
      %sub3A_867 = arith.constant 1 : i32
      %sub3A_868 = arith.subi %div3A_847, %sub3A_867 : i32
      %select_n3A_869 = arith.select %and3A_866, %sub3A_868, %div3A_847 : i32
      %jit3A_870 = arith.constant 2 : i32
      %eq3A_871 = arith.constant 0 : i32
      %eq3A_872 = arith.cmpi eq, %jit3A_870, %eq3A_871 : i32
      %jit3A_873 = arith.constant 1 : i32
      %select_n3A_874 = arith.select %eq3A_872, %jit3A_873, %jit3A_870 : i32
      %rem3A_875 = arith.remsi %select_n3A_845, %select_n3A_874 : i32
      %ne3A_876 = arith.constant 0 : i32
      %ne3A_877 = arith.cmpi ne, %rem3A_875, %ne3A_876 : i32
      %lt3A_878 = arith.constant 0 : i32
      %lt3A_879 = arith.cmpi slt, %rem3A_875, %lt3A_878 : i32
      %lt3A_880 = arith.constant 0 : i32
      %lt3A_881 = arith.cmpi slt, %select_n3A_874, %lt3A_880 : i32
      %ne3A_882 = arith.xori %lt3A_879, %lt3A_881 : i1
      %and3A_883 = arith.andi %ne3A_882, %ne3A_877 : i1
      %add3A_884 = arith.addi %rem3A_875, %select_n3A_874 : i32
      %select_n3A_885 = arith.select %and3A_883, %add3A_884, %rem3A_875 : i32
      %mul3A_886 = arith.constant 8 : i32
      %mul3A_887 = arith.muli %select_n3A_829, %mul3A_886 : i32
      %add3A_888 = arith.addi %mul3A_887, %select_n3A_869 : i32
      %dma_wait3A_889 = arith.constant 0 : i32
      %dma_wait3A_890 = arith.constant 0 : i32
      %dma_wait3A_891 = arith.constant 3 : i32
      %dma_wait3A_892 = arith.constant 0 : i32
      %dma_wait3A_893 = arith.constant 0 : i32
      %dma_wait3A_894 = tpu.memref_slice %arg6[%dma_wait3A_891, %dma_wait3A_892, %dma_wait3A_893] : memref<4x256x64xf32, #tpu.memory_space<vmem>> -> memref<1x128x64xf32, #tpu.memory_space<vmem>>
      %dma_wait3A_895 = tpu.memref_squeeze %dma_wait3A_894 : memref<1x128x64xf32, #tpu.memory_space<vmem>> -> memref<128x64xf32, #tpu.memory_space<vmem>>
      %dma_wait3A_896 = arith.constant 0 : i32
      %dma_wait3A_897 = tpu.memref_slice %arg5[%dma_wait3A_889, %dma_wait3A_890, %dma_wait3A_896] : memref<2x8x512xi32, #tpu.memory_space<vmem>> -> memref<1x1x128xi32, #tpu.memory_space<vmem>>
      %dma_wait3A_898 = tpu.memref_squeeze %dma_wait3A_897 : memref<1x1x128xi32, #tpu.memory_space<vmem>> -> memref<128xi32, #tpu.memory_space<vmem>>
      %dma_wait3A_899 = arith.constant 0 : i32
      %dma_wait3A_900 = arith.constant 0 : i32
      %dma_wait3A_901 = tpu.memref_slice %arg3[%dma_wait3A_899, %dma_wait3A_900] : memref<1000000x64xf32, #tpu.memory_space<hbm>> -> memref<1000000x64xf32, #tpu.memory_space<hbm>>
      tpu.wait_indirect_dma semaphore(%arg11 : memref<!tpu.dma_semaphore, #tpu.memory_space<semaphore_mem>>) src(%dma_wait3A_901 : memref<1000000x64xf32, #tpu.memory_space<hbm>>) dst(%dma_wait3A_895 : memref<128x64xf32, #tpu.memory_space<vmem>>)
      %dma_wait3A_902 = arith.constant 0 : i32
      %dma_wait3A_903 = arith.constant 0 : i32
      %dma_wait3A_904 = arith.constant 3 : i32
      %dma_wait3A_905 = arith.constant 128 : i32
      %dma_wait3A_906 = arith.constant 0 : i32
      %dma_wait3A_907 = tpu.memref_slice %arg6[%dma_wait3A_904, %dma_wait3A_905, %dma_wait3A_906] : memref<4x256x64xf32, #tpu.memory_space<vmem>> -> memref<1x128x64xf32, #tpu.memory_space<vmem>>
      %dma_wait3A_908 = tpu.memref_squeeze %dma_wait3A_907 : memref<1x128x64xf32, #tpu.memory_space<vmem>> -> memref<128x64xf32, #tpu.memory_space<vmem>>
      %dma_wait3A_909 = arith.constant 128 : i32
      %dma_wait3A_910 = tpu.memref_slice %arg5[%dma_wait3A_902, %dma_wait3A_903, %dma_wait3A_909] : memref<2x8x512xi32, #tpu.memory_space<vmem>> -> memref<1x1x128xi32, #tpu.memory_space<vmem>>
      %dma_wait3A_911 = tpu.memref_squeeze %dma_wait3A_910 : memref<1x1x128xi32, #tpu.memory_space<vmem>> -> memref<128xi32, #tpu.memory_space<vmem>>
      %dma_wait3A_912 = arith.constant 0 : i32
      %dma_wait3A_913 = arith.constant 0 : i32
      %dma_wait3A_914 = tpu.memref_slice %arg3[%dma_wait3A_912, %dma_wait3A_913] : memref<1000000x64xf32, #tpu.memory_space<hbm>> -> memref<1000000x64xf32, #tpu.memory_space<hbm>>
      tpu.wait_indirect_dma semaphore(%arg11 : memref<!tpu.dma_semaphore, #tpu.memory_space<semaphore_mem>>) src(%dma_wait3A_914 : memref<1000000x64xf32, #tpu.memory_space<hbm>>) dst(%dma_wait3A_908 : memref<128x64xf32, #tpu.memory_space<vmem>>)
      %jit3A_915 = arith.constant 16 : i32
      %div3A_916 = arith.divsi %add3A_805, %jit3A_915 : i32
      %sign3A_917 = arith.constant 0 : i32
      %sign3A_918 = arith.cmpi sgt, %add3A_805, %sign3A_917 : i32
      %sign3A_919 = arith.extui %sign3A_918 : i1 to i32
      %sign3A_920 = arith.constant 0 : i32
      %sign3A_921 = arith.cmpi slt, %add3A_805, %sign3A_920 : i32
      %sign3A_922 = arith.extui %sign3A_921 : i1 to i32
      %sign3A_923 = arith.subi %sign3A_919, %sign3A_922 : i32
      %sign3A_924 = arith.constant 0 : i32
      %sign3A_925 = arith.cmpi sgt, %jit3A_915, %sign3A_924 : i32
      %sign3A_926 = arith.extui %sign3A_925 : i1 to i32
      %sign3A_927 = arith.constant 0 : i32
      %sign3A_928 = arith.cmpi slt, %jit3A_915, %sign3A_927 : i32
      %sign3A_929 = arith.extui %sign3A_928 : i1 to i32
      %sign3A_930 = arith.subi %sign3A_926, %sign3A_929 : i32
      %ne3A_931 = arith.cmpi ne, %sign3A_923, %sign3A_930 : i32
      %rem3A_932 = arith.remsi %add3A_805, %jit3A_915 : i32
      %ne3A_933 = arith.constant 0 : i32
      %ne3A_934 = arith.cmpi ne, %rem3A_932, %ne3A_933 : i32
      %and3A_935 = arith.andi %ne3A_931, %ne3A_934 : i1
      %sub3A_936 = arith.constant 1 : i32
      %sub3A_937 = arith.subi %div3A_916, %sub3A_936 : i32
      %select_n3A_938 = arith.select %and3A_935, %sub3A_937, %div3A_916 : i32
      %jit3A_939 = arith.constant 16 : i32
      %eq3A_940 = arith.constant 0 : i32
      %eq3A_941 = arith.cmpi eq, %jit3A_939, %eq3A_940 : i32
      %jit3A_942 = arith.constant 1 : i32
      %select_n3A_943 = arith.select %eq3A_941, %jit3A_942, %jit3A_939 : i32
      %rem3A_944 = arith.remsi %add3A_805, %select_n3A_943 : i32
      %ne3A_945 = arith.constant 0 : i32
      %ne3A_946 = arith.cmpi ne, %rem3A_944, %ne3A_945 : i32
      %lt3A_947 = arith.constant 0 : i32
      %lt3A_948 = arith.cmpi slt, %rem3A_944, %lt3A_947 : i32
      %lt3A_949 = arith.constant 0 : i32
      %lt3A_950 = arith.cmpi slt, %select_n3A_943, %lt3A_949 : i32
      %ne3A_951 = arith.xori %lt3A_948, %lt3A_950 : i1
      %and3A_952 = arith.andi %ne3A_951, %ne3A_946 : i1
      %add3A_953 = arith.addi %rem3A_944, %select_n3A_943 : i32
      %select_n3A_954 = arith.select %and3A_952, %add3A_953, %rem3A_944 : i32
      %jit3A_955 = arith.constant 2 : i32
      %div3A_956 = arith.divsi %select_n3A_954, %jit3A_955 : i32
      %sign3A_957 = arith.constant 0 : i32
      %sign3A_958 = arith.cmpi sgt, %select_n3A_954, %sign3A_957 : i32
      %sign3A_959 = arith.extui %sign3A_958 : i1 to i32
      %sign3A_960 = arith.constant 0 : i32
      %sign3A_961 = arith.cmpi slt, %select_n3A_954, %sign3A_960 : i32
      %sign3A_962 = arith.extui %sign3A_961 : i1 to i32
      %sign3A_963 = arith.subi %sign3A_959, %sign3A_962 : i32
      %sign3A_964 = arith.constant 0 : i32
      %sign3A_965 = arith.cmpi sgt, %jit3A_955, %sign3A_964 : i32
      %sign3A_966 = arith.extui %sign3A_965 : i1 to i32
      %sign3A_967 = arith.constant 0 : i32
      %sign3A_968 = arith.cmpi slt, %jit3A_955, %sign3A_967 : i32
      %sign3A_969 = arith.extui %sign3A_968 : i1 to i32
      %sign3A_970 = arith.subi %sign3A_966, %sign3A_969 : i32
      %ne3A_971 = arith.cmpi ne, %sign3A_963, %sign3A_970 : i32
      %rem3A_972 = arith.remsi %select_n3A_954, %jit3A_955 : i32
      %ne3A_973 = arith.constant 0 : i32
      %ne3A_974 = arith.cmpi ne, %rem3A_972, %ne3A_973 : i32
      %and3A_975 = arith.andi %ne3A_971, %ne3A_974 : i1
      %sub3A_976 = arith.constant 1 : i32
      %sub3A_977 = arith.subi %div3A_956, %sub3A_976 : i32
      %select_n3A_978 = arith.select %and3A_975, %sub3A_977, %div3A_956 : i32
      %jit3A_979 = arith.constant 2 : i32
      %eq3A_980 = arith.constant 0 : i32
      %eq3A_981 = arith.cmpi eq, %jit3A_979, %eq3A_980 : i32
      %jit3A_982 = arith.constant 1 : i32
      %select_n3A_983 = arith.select %eq3A_981, %jit3A_982, %jit3A_979 : i32
      %rem3A_984 = arith.remsi %select_n3A_954, %select_n3A_983 : i32
      %ne3A_985 = arith.constant 0 : i32
      %ne3A_986 = arith.cmpi ne, %rem3A_984, %ne3A_985 : i32
      %lt3A_987 = arith.constant 0 : i32
      %lt3A_988 = arith.cmpi slt, %rem3A_984, %lt3A_987 : i32
      %lt3A_989 = arith.constant 0 : i32
      %lt3A_990 = arith.cmpi slt, %select_n3A_983, %lt3A_989 : i32
      %ne3A_991 = arith.xori %lt3A_988, %lt3A_990 : i1
      %and3A_992 = arith.andi %ne3A_991, %ne3A_986 : i1
      %add3A_993 = arith.addi %rem3A_984, %select_n3A_983 : i32
      %select_n3A_994 = arith.select %and3A_992, %add3A_993, %rem3A_984 : i32
      %mul3A_995 = arith.constant 8 : i32
      %mul3A_996 = arith.muli %select_n3A_938, %mul3A_995 : i32
      %add3A_997 = arith.addi %mul3A_996, %select_n3A_978 : i32
      %mul3A_998 = arith.constant 256 : i32
      %mul3A_999 = arith.muli %select_n3A_994, %mul3A_998 : i32
      %add3A_1000 = arith.addi %mul3A_2, %mul3A_999 : i32
      %dma_start3A_1001 = arith.constant 3 : i32
      %dma_start3A_1002 = arith.constant 0 : i32
      %dma_start3A_1003 = arith.constant 0 : i32
      %dma_start3A_1004 = tpu.memref_slice %arg6[%dma_start3A_1001, %dma_start3A_1002, %dma_start3A_1003] : memref<4x256x64xf32, #tpu.memory_space<vmem>> -> memref<1x256x64xf32, #tpu.memory_space<vmem>>
      %dma_start3A_1005 = tpu.memref_squeeze %dma_start3A_1004 : memref<1x256x64xf32, #tpu.memory_space<vmem>> -> memref<256x64xf32, #tpu.memory_space<vmem>>
      %dma_start3A_1006 = arith.constant 0 : i32
      %dma_start3A_1007 = tpu.memref_slice %arg4[%add3A_997, %add3A_1000, %dma_start3A_1006] : memref<200x16384x128xf32, #tpu.memory_space<hbm>> -> memref<1x256x64xf32, #tpu.memory_space<hbm>>
      %dma_start3A_1008 = tpu.memref_squeeze %dma_start3A_1007 : memref<1x256x64xf32, #tpu.memory_space<hbm>> -> memref<256x64xf32, #tpu.memory_space<hbm>>
      %dma_start3A_1009 = arith.constant 0 : i32
      %dma_start3A_1010 = tpu.memref_slice %arg4[%add3A_997, %add3A_1000, %dma_start3A_1009] : memref<200x16384x128xf32, #tpu.memory_space<hbm>> -> memref<1x256x64xf32, #tpu.memory_space<hbm>>
      %dma_start3A_1011 = tpu.memref_squeeze %dma_start3A_1010 : memref<1x256x64xf32, #tpu.memory_space<hbm>> -> memref<256x64xf32, #tpu.memory_space<hbm>>
      %dma_start3A_1012 = arith.constant 0 : i32
      %dma_start3A_1013 = arith.constant 0 : i32
      %dma_start3A_1014 = tpu.memref_slice %arg6[%dma_start3A_1001, %dma_start3A_1012, %dma_start3A_1013] : memref<4x256x64xf32, #tpu.memory_space<vmem>> -> memref<1x256x64xf32, #tpu.memory_space<vmem>>
      %dma_start3A_1015 = tpu.memref_squeeze %dma_start3A_1014 : memref<1x256x64xf32, #tpu.memory_space<vmem>> -> memref<256x64xf32, #tpu.memory_space<vmem>>
      tpu.enqueue_dma source(%dma_start3A_1015 : memref<256x64xf32, #tpu.memory_space<vmem>>) target(%dma_start3A_1011 : memref<256x64xf32, #tpu.memory_space<hbm>>) target_semaphore(%arg15 : memref<!tpu.dma_semaphore, #tpu.memory_space<semaphore_mem>>)
      %add3A_1016 = arith.constant 2 : i32
      %add3A_1017 = arith.addi %add3A_805, %add3A_1016 : i32
      %lt3A_1018 = arith.constant 400 : i32
      %lt3A_1019 = arith.cmpi slt, %add3A_1017, %lt3A_1018 : i32
      %convert_element_type3A_1020 = arith.extui %lt3A_1019 : i1 to i32
      %cond3A_1021 = arith.constant 0 : i32
      %cond3A_1022 = arith.cmpi ne, %convert_element_type3A_1020, %cond3A_1021 : i32
      scf.if %cond3A_1022 {
        %ge3A = arith.constant 2 : i32
        %ge3A_1023 = arith.cmpi sge, %add3A_805, %ge3A : i32
        %convert_element_type3A_1024 = arith.extui %ge3A_1023 : i1 to i32
        %cond3A_1025 = arith.constant 0 : i32
        %cond3A_1026 = arith.cmpi ne, %convert_element_type3A_1024, %cond3A_1025 : i32
        scf.if %cond3A_1026 {
          %dma_wait3A_1138 = arith.constant 1 : i32
          %dma_wait3A_1139 = arith.constant 0 : i32
          %dma_wait3A_1140 = arith.constant 0 : i32
          %dma_wait3A_1141 = arith.constant 0 : i32
          %dma_wait3A_1142 = tpu.memref_slice %arg6[%dma_wait3A_1138, %dma_wait3A_1140, %dma_wait3A_1141] : memref<4x256x64xf32, #tpu.memory_space<vmem>> -> memref<1x256x64xf32, #tpu.memory_space<vmem>>
          %dma_wait3A_1143 = tpu.memref_squeeze %dma_wait3A_1142 : memref<1x256x64xf32, #tpu.memory_space<vmem>> -> memref<256x64xf32, #tpu.memory_space<vmem>>
          %dma_wait3A_1144 = arith.constant 0 : i32
          %dma_wait3A_1145 = arith.constant 0 : i32
          %dma_wait3A_1146 = tpu.memref_slice %arg4[%dma_wait3A_1139, %dma_wait3A_1144, %dma_wait3A_1145] : memref<200x16384x128xf32, #tpu.memory_space<hbm>> -> memref<1x256x64xf32, #tpu.memory_space<hbm>>
          %dma_wait3A_1147 = tpu.memref_squeeze %dma_wait3A_1146 : memref<1x256x64xf32, #tpu.memory_space<hbm>> -> memref<256x64xf32, #tpu.memory_space<hbm>>
          %dma_wait3A_1148 = arith.constant 0 : i32
          %dma_wait3A_1149 = arith.constant 0 : i32
          %dma_wait3A_1150 = tpu.memref_slice %arg4[%dma_wait3A_1139, %dma_wait3A_1148, %dma_wait3A_1149] : memref<200x16384x128xf32, #tpu.memory_space<hbm>> -> memref<1x256x64xf32, #tpu.memory_space<hbm>>
          %dma_wait3A_1151 = tpu.memref_squeeze %dma_wait3A_1150 : memref<1x256x64xf32, #tpu.memory_space<hbm>> -> memref<256x64xf32, #tpu.memory_space<hbm>>
          %dma_wait3A_1152 = arith.constant 0 : i32
          %dma_wait3A_1153 = arith.constant 0 : i32
          %dma_wait3A_1154 = tpu.memref_slice %arg6[%dma_wait3A_1138, %dma_wait3A_1152, %dma_wait3A_1153] : memref<4x256x64xf32, #tpu.memory_space<vmem>> -> memref<1x256x64xf32, #tpu.memory_space<vmem>>
          %dma_wait3A_1155 = tpu.memref_squeeze %dma_wait3A_1154 : memref<1x256x64xf32, #tpu.memory_space<vmem>> -> memref<256x64xf32, #tpu.memory_space<vmem>>
          tpu.wait_dma2 semaphore(%arg13 : memref<!tpu.dma_semaphore, #tpu.memory_space<semaphore_mem>>) src(%dma_wait3A_1155 : memref<256x64xf32, #tpu.memory_space<vmem>>) dst(%dma_wait3A_1151 : memref<256x64xf32, #tpu.memory_space<hbm>>)
        } else {
        }
        %add3A_1027 = arith.constant 2 : i32
        %add3A_1028 = arith.addi %add3A_805, %add3A_1027 : i32
        %jit3A_1029 = arith.constant 16 : i32
        %div3A_1030 = arith.divsi %add3A_1028, %jit3A_1029 : i32
        %sign3A_1031 = arith.constant 0 : i32
        %sign3A_1032 = arith.cmpi sgt, %add3A_1028, %sign3A_1031 : i32
        %sign3A_1033 = arith.extui %sign3A_1032 : i1 to i32
        %sign3A_1034 = arith.constant 0 : i32
        %sign3A_1035 = arith.cmpi slt, %add3A_1028, %sign3A_1034 : i32
        %sign3A_1036 = arith.extui %sign3A_1035 : i1 to i32
        %sign3A_1037 = arith.subi %sign3A_1033, %sign3A_1036 : i32
        %sign3A_1038 = arith.constant 0 : i32
        %sign3A_1039 = arith.cmpi sgt, %jit3A_1029, %sign3A_1038 : i32
        %sign3A_1040 = arith.extui %sign3A_1039 : i1 to i32
        %sign3A_1041 = arith.constant 0 : i32
        %sign3A_1042 = arith.cmpi slt, %jit3A_1029, %sign3A_1041 : i32
        %sign3A_1043 = arith.extui %sign3A_1042 : i1 to i32
        %sign3A_1044 = arith.subi %sign3A_1040, %sign3A_1043 : i32
        %ne3A_1045 = arith.cmpi ne, %sign3A_1037, %sign3A_1044 : i32
        %rem3A_1046 = arith.remsi %add3A_1028, %jit3A_1029 : i32
        %ne3A_1047 = arith.constant 0 : i32
        %ne3A_1048 = arith.cmpi ne, %rem3A_1046, %ne3A_1047 : i32
        %and3A_1049 = arith.andi %ne3A_1045, %ne3A_1048 : i1
        %sub3A_1050 = arith.constant 1 : i32
        %sub3A_1051 = arith.subi %div3A_1030, %sub3A_1050 : i32
        %select_n3A_1052 = arith.select %and3A_1049, %sub3A_1051, %div3A_1030 : i32
        %jit3A_1053 = arith.constant 16 : i32
        %eq3A_1054 = arith.constant 0 : i32
        %eq3A_1055 = arith.cmpi eq, %jit3A_1053, %eq3A_1054 : i32
        %jit3A_1056 = arith.constant 1 : i32
        %select_n3A_1057 = arith.select %eq3A_1055, %jit3A_1056, %jit3A_1053 : i32
        %rem3A_1058 = arith.remsi %add3A_1028, %select_n3A_1057 : i32
        %ne3A_1059 = arith.constant 0 : i32
        %ne3A_1060 = arith.cmpi ne, %rem3A_1058, %ne3A_1059 : i32
        %lt3A_1061 = arith.constant 0 : i32
        %lt3A_1062 = arith.cmpi slt, %rem3A_1058, %lt3A_1061 : i32
        %lt3A_1063 = arith.constant 0 : i32
        %lt3A_1064 = arith.cmpi slt, %select_n3A_1057, %lt3A_1063 : i32
        %ne3A_1065 = arith.xori %lt3A_1062, %lt3A_1064 : i1
        %and3A_1066 = arith.andi %ne3A_1065, %ne3A_1060 : i1
        %add3A_1067 = arith.addi %rem3A_1058, %select_n3A_1057 : i32
        %select_n3A_1068 = arith.select %and3A_1066, %add3A_1067, %rem3A_1058 : i32
        %jit3A_1069 = arith.constant 2 : i32
        %div3A_1070 = arith.divsi %select_n3A_1068, %jit3A_1069 : i32
        %sign3A_1071 = arith.constant 0 : i32
        %sign3A_1072 = arith.cmpi sgt, %select_n3A_1068, %sign3A_1071 : i32
        %sign3A_1073 = arith.extui %sign3A_1072 : i1 to i32
        %sign3A_1074 = arith.constant 0 : i32
        %sign3A_1075 = arith.cmpi slt, %select_n3A_1068, %sign3A_1074 : i32
        %sign3A_1076 = arith.extui %sign3A_1075 : i1 to i32
        %sign3A_1077 = arith.subi %sign3A_1073, %sign3A_1076 : i32
        %sign3A_1078 = arith.constant 0 : i32
        %sign3A_1079 = arith.cmpi sgt, %jit3A_1069, %sign3A_1078 : i32
        %sign3A_1080 = arith.extui %sign3A_1079 : i1 to i32
        %sign3A_1081 = arith.constant 0 : i32
        %sign3A_1082 = arith.cmpi slt, %jit3A_1069, %sign3A_1081 : i32
        %sign3A_1083 = arith.extui %sign3A_1082 : i1 to i32
        %sign3A_1084 = arith.subi %sign3A_1080, %sign3A_1083 : i32
        %ne3A_1085 = arith.cmpi ne, %sign3A_1077, %sign3A_1084 : i32
        %rem3A_1086 = arith.remsi %select_n3A_1068, %jit3A_1069 : i32
        %ne3A_1087 = arith.constant 0 : i32
        %ne3A_1088 = arith.cmpi ne, %rem3A_1086, %ne3A_1087 : i32
        %and3A_1089 = arith.andi %ne3A_1085, %ne3A_1088 : i1
        %sub3A_1090 = arith.constant 1 : i32
        %sub3A_1091 = arith.subi %div3A_1070, %sub3A_1090 : i32
        %select_n3A_1092 = arith.select %and3A_1089, %sub3A_1091, %div3A_1070 : i32
        %jit3A_1093 = arith.constant 2 : i32
        %eq3A_1094 = arith.constant 0 : i32
        %eq3A_1095 = arith.cmpi eq, %jit3A_1093, %eq3A_1094 : i32
        %jit3A_1096 = arith.constant 1 : i32
        %select_n3A_1097 = arith.select %eq3A_1095, %jit3A_1096, %jit3A_1093 : i32
        %rem3A_1098 = arith.remsi %select_n3A_1068, %select_n3A_1097 : i32
        %ne3A_1099 = arith.constant 0 : i32
        %ne3A_1100 = arith.cmpi ne, %rem3A_1098, %ne3A_1099 : i32
        %lt3A_1101 = arith.constant 0 : i32
        %lt3A_1102 = arith.cmpi slt, %rem3A_1098, %lt3A_1101 : i32
        %lt3A_1103 = arith.constant 0 : i32
        %lt3A_1104 = arith.cmpi slt, %select_n3A_1097, %lt3A_1103 : i32
        %ne3A_1105 = arith.xori %lt3A_1102, %lt3A_1104 : i1
        %and3A_1106 = arith.andi %ne3A_1105, %ne3A_1100 : i1
        %add3A_1107 = arith.addi %rem3A_1098, %select_n3A_1097 : i32
        %select_n3A_1108 = arith.select %and3A_1106, %add3A_1107, %rem3A_1098 : i32
        %mul3A_1109 = arith.constant 8 : i32
        %mul3A_1110 = arith.muli %select_n3A_1052, %mul3A_1109 : i32
        %add3A_1111 = arith.addi %mul3A_1110, %select_n3A_1092 : i32
        %jit3A_1112 = arith.constant 2 : i32
        %eq3A_1113 = arith.constant 0 : i32
        %eq3A_1114 = arith.cmpi eq, %jit3A_1112, %eq3A_1113 : i32
        %jit3A_1115 = arith.constant 1 : i32
        %select_n3A_1116 = arith.select %eq3A_1114, %jit3A_1115, %jit3A_1112 : i32
        %rem3A_1117 = arith.remsi %select_n3A_1052, %select_n3A_1116 : i32
        %ne3A_1118 = arith.constant 0 : i32
        %ne3A_1119 = arith.cmpi ne, %rem3A_1117, %ne3A_1118 : i32
        %lt3A_1120 = arith.constant 0 : i32
        %lt3A_1121 = arith.cmpi slt, %rem3A_1117, %lt3A_1120 : i32
        %lt3A_1122 = arith.constant 0 : i32
        %lt3A_1123 = arith.cmpi slt, %select_n3A_1116, %lt3A_1122 : i32
        %ne3A_1124 = arith.xori %lt3A_1121, %lt3A_1123 : i1
        %and3A_1125 = arith.andi %ne3A_1124, %ne3A_1119 : i1
        %add3A_1126 = arith.addi %rem3A_1117, %select_n3A_1116 : i32
        %select_n3A_1127 = arith.select %and3A_1125, %add3A_1126, %rem3A_1117 : i32
        %eq3A_1128 = arith.constant 0 : i32
        %eq3A_1129 = arith.cmpi eq, %select_n3A_1127, %eq3A_1128 : i32
        %convert_element_type3A_1130 = arith.extui %eq3A_1129 : i1 to i32
        %cond3A_1131 = arith.constant 0 : i32
        %cond3A_1132 = arith.cmpi ne, %convert_element_type3A_1130, %cond3A_1131 : i32
        scf.if %cond3A_1132 {
          %mul3A_1138 = arith.constant 256 : i32
          %mul3A_1139 = arith.muli %select_n3A_1108, %mul3A_1138 : i32
          %add3A_1140 = arith.constant 0 : i32
          %add3A_1141 = arith.addi %mul3A_1139, %add3A_1140 : i32
          %dma_start3A_1142 = arith.constant 0 : i32
          %dma_start3A_1143 = arith.constant 1 : i32
          %dma_start3A_1144 = arith.constant 0 : i32
          %dma_start3A_1145 = arith.constant 0 : i32
          %dma_start3A_1146 = tpu.memref_slice %arg6[%dma_start3A_1143, %dma_start3A_1144, %dma_start3A_1145] : memref<4x256x64xf32, #tpu.memory_space<vmem>> -> memref<1x128x64xf32, #tpu.memory_space<vmem>>
          %dma_start3A_1147 = tpu.memref_squeeze %dma_start3A_1146 : memref<1x128x64xf32, #tpu.memory_space<vmem>> -> memref<128x64xf32, #tpu.memory_space<vmem>>
          %dma_start3A_1148 = tpu.memref_slice %arg5[%dma_start3A_1142, %select_n3A_1092, %add3A_1141] : memref<2x8x512xi32, #tpu.memory_space<vmem>> -> memref<1x1x128xi32, #tpu.memory_space<vmem>>
          %dma_start3A_1149 = tpu.memref_squeeze %dma_start3A_1148 : memref<1x1x128xi32, #tpu.memory_space<vmem>> -> memref<128xi32, #tpu.memory_space<vmem>>
          %dma_start3A_1150 = arith.constant 0 : i32
          %dma_start3A_1151 = arith.constant 0 : i32
          %dma_start3A_1152 = tpu.memref_slice %arg3[%dma_start3A_1150, %dma_start3A_1151] : memref<1000000x64xf32, #tpu.memory_space<hbm>> -> memref<1000000x64xf32, #tpu.memory_space<hbm>>
          tpu.enqueue_indirect_dma source(%dma_start3A_1152 : memref<1000000x64xf32, #tpu.memory_space<hbm>>) target(%dma_start3A_1147 : memref<128x64xf32, #tpu.memory_space<vmem>>) offsets(%dma_start3A_1149 : memref<128xi32, #tpu.memory_space<vmem>>) semaphore(%arg9 : memref<!tpu.dma_semaphore, #tpu.memory_space<semaphore_mem>>)
          %mul3A_1153 = arith.constant 256 : i32
          %mul3A_1154 = arith.muli %select_n3A_1108, %mul3A_1153 : i32
          %add3A_1155 = arith.constant 128 : i32
          %add3A_1156 = arith.addi %mul3A_1154, %add3A_1155 : i32
          %dma_start3A_1157 = arith.constant 0 : i32
          %dma_start3A_1158 = arith.constant 1 : i32
          %dma_start3A_1159 = arith.constant 128 : i32
          %dma_start3A_1160 = arith.constant 0 : i32
          %dma_start3A_1161 = tpu.memref_slice %arg6[%dma_start3A_1158, %dma_start3A_1159, %dma_start3A_1160] : memref<4x256x64xf32, #tpu.memory_space<vmem>> -> memref<1x128x64xf32, #tpu.memory_space<vmem>>
          %dma_start3A_1162 = tpu.memref_squeeze %dma_start3A_1161 : memref<1x128x64xf32, #tpu.memory_space<vmem>> -> memref<128x64xf32, #tpu.memory_space<vmem>>
          %dma_start3A_1163 = tpu.memref_slice %arg5[%dma_start3A_1157, %select_n3A_1092, %add3A_1156] : memref<2x8x512xi32, #tpu.memory_space<vmem>> -> memref<1x1x128xi32, #tpu.memory_space<vmem>>
          %dma_start3A_1164 = tpu.memref_squeeze %dma_start3A_1163 : memref<1x1x128xi32, #tpu.memory_space<vmem>> -> memref<128xi32, #tpu.memory_space<vmem>>
          %dma_start3A_1165 = arith.constant 0 : i32
          %dma_start3A_1166 = arith.constant 0 : i32
          %dma_start3A_1167 = tpu.memref_slice %arg3[%dma_start3A_1165, %dma_start3A_1166] : memref<1000000x64xf32, #tpu.memory_space<hbm>> -> memref<1000000x64xf32, #tpu.memory_space<hbm>>
          tpu.enqueue_indirect_dma source(%dma_start3A_1167 : memref<1000000x64xf32, #tpu.memory_space<hbm>>) target(%dma_start3A_1162 : memref<128x64xf32, #tpu.memory_space<vmem>>) offsets(%dma_start3A_1164 : memref<128xi32, #tpu.memory_space<vmem>>) semaphore(%arg9 : memref<!tpu.dma_semaphore, #tpu.memory_space<semaphore_mem>>)
        } else {
        }
        %eq3A_1133 = arith.constant 1 : i32
        %eq3A_1134 = arith.cmpi eq, %select_n3A_1127, %eq3A_1133 : i32
        %convert_element_type3A_1135 = arith.extui %eq3A_1134 : i1 to i32
        %cond3A_1136 = arith.constant 0 : i32
        %cond3A_1137 = arith.cmpi ne, %convert_element_type3A_1135, %cond3A_1136 : i32
        scf.if %cond3A_1137 {
          %mul3A_1138 = arith.constant 256 : i32
          %mul3A_1139 = arith.muli %select_n3A_1108, %mul3A_1138 : i32
          %add3A_1140 = arith.constant 0 : i32
          %add3A_1141 = arith.addi %mul3A_1139, %add3A_1140 : i32
          %dma_start3A_1142 = arith.constant 1 : i32
          %dma_start3A_1143 = arith.constant 1 : i32
          %dma_start3A_1144 = arith.constant 0 : i32
          %dma_start3A_1145 = arith.constant 0 : i32
          %dma_start3A_1146 = tpu.memref_slice %arg6[%dma_start3A_1143, %dma_start3A_1144, %dma_start3A_1145] : memref<4x256x64xf32, #tpu.memory_space<vmem>> -> memref<1x128x64xf32, #tpu.memory_space<vmem>>
          %dma_start3A_1147 = tpu.memref_squeeze %dma_start3A_1146 : memref<1x128x64xf32, #tpu.memory_space<vmem>> -> memref<128x64xf32, #tpu.memory_space<vmem>>
          %dma_start3A_1148 = tpu.memref_slice %arg5[%dma_start3A_1142, %select_n3A_1092, %add3A_1141] : memref<2x8x512xi32, #tpu.memory_space<vmem>> -> memref<1x1x128xi32, #tpu.memory_space<vmem>>
          %dma_start3A_1149 = tpu.memref_squeeze %dma_start3A_1148 : memref<1x1x128xi32, #tpu.memory_space<vmem>> -> memref<128xi32, #tpu.memory_space<vmem>>
          %dma_start3A_1150 = arith.constant 0 : i32
          %dma_start3A_1151 = arith.constant 0 : i32
          %dma_start3A_1152 = tpu.memref_slice %arg3[%dma_start3A_1150, %dma_start3A_1151] : memref<1000000x64xf32, #tpu.memory_space<hbm>> -> memref<1000000x64xf32, #tpu.memory_space<hbm>>
          tpu.enqueue_indirect_dma source(%dma_start3A_1152 : memref<1000000x64xf32, #tpu.memory_space<hbm>>) target(%dma_start3A_1147 : memref<128x64xf32, #tpu.memory_space<vmem>>) offsets(%dma_start3A_1149 : memref<128xi32, #tpu.memory_space<vmem>>) semaphore(%arg9 : memref<!tpu.dma_semaphore, #tpu.memory_space<semaphore_mem>>)
          %mul3A_1153 = arith.constant 256 : i32
          %mul3A_1154 = arith.muli %select_n3A_1108, %mul3A_1153 : i32
          %add3A_1155 = arith.constant 128 : i32
          %add3A_1156 = arith.addi %mul3A_1154, %add3A_1155 : i32
          %dma_start3A_1157 = arith.constant 1 : i32
          %dma_start3A_1158 = arith.constant 1 : i32
          %dma_start3A_1159 = arith.constant 128 : i32
          %dma_start3A_1160 = arith.constant 0 : i32
          %dma_start3A_1161 = tpu.memref_slice %arg6[%dma_start3A_1158, %dma_start3A_1159, %dma_start3A_1160] : memref<4x256x64xf32, #tpu.memory_space<vmem>> -> memref<1x128x64xf32, #tpu.memory_space<vmem>>
          %dma_start3A_1162 = tpu.memref_squeeze %dma_start3A_1161 : memref<1x128x64xf32, #tpu.memory_space<vmem>> -> memref<128x64xf32, #tpu.memory_space<vmem>>
          %dma_start3A_1163 = tpu.memref_slice %arg5[%dma_start3A_1157, %select_n3A_1092, %add3A_1156] : memref<2x8x512xi32, #tpu.memory_space<vmem>> -> memref<1x1x128xi32, #tpu.memory_space<vmem>>
          %dma_start3A_1164 = tpu.memref_squeeze %dma_start3A_1163 : memref<1x1x128xi32, #tpu.memory_space<vmem>> -> memref<128xi32, #tpu.memory_space<vmem>>
          %dma_start3A_1165 = arith.constant 0 : i32
          %dma_start3A_1166 = arith.constant 0 : i32
          %dma_start3A_1167 = tpu.memref_slice %arg3[%dma_start3A_1165, %dma_start3A_1166] : memref<1000000x64xf32, #tpu.memory_space<hbm>> -> memref<1000000x64xf32, #tpu.memory_space<hbm>>
          tpu.enqueue_indirect_dma source(%dma_start3A_1167 : memref<1000000x64xf32, #tpu.memory_space<hbm>>) target(%dma_start3A_1162 : memref<128x64xf32, #tpu.memory_space<vmem>>) offsets(%dma_start3A_1164 : memref<128xi32, #tpu.memory_space<vmem>>) semaphore(%arg9 : memref<!tpu.dma_semaphore, #tpu.memory_space<semaphore_mem>>)
        } else {
        }
      } else {
      }
    }
    %scan3A_58 = arith.constant 100 : i32
    %dma_wait3A = arith.constant 0 : i32
    %dma_wait3A_59 = arith.constant 0 : i32
    %dma_wait3A_60 = arith.constant 0 : i32
    %dma_wait3A_61 = arith.constant 0 : i32
    %dma_wait3A_62 = tpu.memref_slice %arg6[%dma_wait3A, %dma_wait3A_60, %dma_wait3A_61] : memref<4x256x64xf32, #tpu.memory_space<vmem>> -> memref<1x256x64xf32, #tpu.memory_space<vmem>>
    %dma_wait3A_63 = tpu.memref_squeeze %dma_wait3A_62 : memref<1x256x64xf32, #tpu.memory_space<vmem>> -> memref<256x64xf32, #tpu.memory_space<vmem>>
    %dma_wait3A_64 = arith.constant 0 : i32
    %dma_wait3A_65 = arith.constant 0 : i32
    %dma_wait3A_66 = tpu.memref_slice %arg4[%dma_wait3A_59, %dma_wait3A_64, %dma_wait3A_65] : memref<200x16384x128xf32, #tpu.memory_space<hbm>> -> memref<1x256x64xf32, #tpu.memory_space<hbm>>
    %dma_wait3A_67 = tpu.memref_squeeze %dma_wait3A_66 : memref<1x256x64xf32, #tpu.memory_space<hbm>> -> memref<256x64xf32, #tpu.memory_space<hbm>>
    %dma_wait3A_68 = arith.constant 0 : i32
    %dma_wait3A_69 = arith.constant 0 : i32
    %dma_wait3A_70 = tpu.memref_slice %arg4[%dma_wait3A_59, %dma_wait3A_68, %dma_wait3A_69] : memref<200x16384x128xf32, #tpu.memory_space<hbm>> -> memref<1x256x64xf32, #tpu.memory_space<hbm>>
    %dma_wait3A_71 = tpu.memref_squeeze %dma_wait3A_70 : memref<1x256x64xf32, #tpu.memory_space<hbm>> -> memref<256x64xf32, #tpu.memory_space<hbm>>
    %dma_wait3A_72 = arith.constant 0 : i32
    %dma_wait3A_73 = arith.constant 0 : i32
    %dma_wait3A_74 = tpu.memref_slice %arg6[%dma_wait3A, %dma_wait3A_72, %dma_wait3A_73] : memref<4x256x64xf32, #tpu.memory_space<vmem>> -> memref<1x256x64xf32, #tpu.memory_space<vmem>>
    %dma_wait3A_75 = tpu.memref_squeeze %dma_wait3A_74 : memref<1x256x64xf32, #tpu.memory_space<vmem>> -> memref<256x64xf32, #tpu.memory_space<vmem>>
    tpu.wait_dma2 semaphore(%arg12 : memref<!tpu.dma_semaphore, #tpu.memory_space<semaphore_mem>>) src(%dma_wait3A_75 : memref<256x64xf32, #tpu.memory_space<vmem>>) dst(%dma_wait3A_71 : memref<256x64xf32, #tpu.memory_space<hbm>>)
    %dma_wait3A_76 = arith.constant 1 : i32
    %dma_wait3A_77 = arith.constant 0 : i32
    %dma_wait3A_78 = arith.constant 0 : i32
    %dma_wait3A_79 = arith.constant 0 : i32
    %dma_wait3A_80 = tpu.memref_slice %arg6[%dma_wait3A_76, %dma_wait3A_78, %dma_wait3A_79] : memref<4x256x64xf32, #tpu.memory_space<vmem>> -> memref<1x256x64xf32, #tpu.memory_space<vmem>>
    %dma_wait3A_81 = tpu.memref_squeeze %dma_wait3A_80 : memref<1x256x64xf32, #tpu.memory_space<vmem>> -> memref<256x64xf32, #tpu.memory_space<vmem>>
    %dma_wait3A_82 = arith.constant 0 : i32
    %dma_wait3A_83 = arith.constant 0 : i32
    %dma_wait3A_84 = tpu.memref_slice %arg4[%dma_wait3A_77, %dma_wait3A_82, %dma_wait3A_83] : memref<200x16384x128xf32, #tpu.memory_space<hbm>> -> memref<1x256x64xf32, #tpu.memory_space<hbm>>
    %dma_wait3A_85 = tpu.memref_squeeze %dma_wait3A_84 : memref<1x256x64xf32, #tpu.memory_space<hbm>> -> memref<256x64xf32, #tpu.memory_space<hbm>>
    %dma_wait3A_86 = arith.constant 0 : i32
    %dma_wait3A_87 = arith.constant 0 : i32
    %dma_wait3A_88 = tpu.memref_slice %arg4[%dma_wait3A_77, %dma_wait3A_86, %dma_wait3A_87] : memref<200x16384x128xf32, #tpu.memory_space<hbm>> -> memref<1x256x64xf32, #tpu.memory_space<hbm>>
    %dma_wait3A_89 = tpu.memref_squeeze %dma_wait3A_88 : memref<1x256x64xf32, #tpu.memory_space<hbm>> -> memref<256x64xf32, #tpu.memory_space<hbm>>
    %dma_wait3A_90 = arith.constant 0 : i32
    %dma_wait3A_91 = arith.constant 0 : i32
    %dma_wait3A_92 = tpu.memref_slice %arg6[%dma_wait3A_76, %dma_wait3A_90, %dma_wait3A_91] : memref<4x256x64xf32, #tpu.memory_space<vmem>> -> memref<1x256x64xf32, #tpu.memory_space<vmem>>
    %dma_wait3A_93 = tpu.memref_squeeze %dma_wait3A_92 : memref<1x256x64xf32, #tpu.memory_space<vmem>> -> memref<256x64xf32, #tpu.memory_space<vmem>>
    tpu.wait_dma2 semaphore(%arg13 : memref<!tpu.dma_semaphore, #tpu.memory_space<semaphore_mem>>) src(%dma_wait3A_93 : memref<256x64xf32, #tpu.memory_space<vmem>>) dst(%dma_wait3A_89 : memref<256x64xf32, #tpu.memory_space<hbm>>)
    %dma_wait3A_94 = arith.constant 2 : i32
    %dma_wait3A_95 = arith.constant 0 : i32
    %dma_wait3A_96 = arith.constant 0 : i32
    %dma_wait3A_97 = arith.constant 0 : i32
    %dma_wait3A_98 = tpu.memref_slice %arg6[%dma_wait3A_94, %dma_wait3A_96, %dma_wait3A_97] : memref<4x256x64xf32, #tpu.memory_space<vmem>> -> memref<1x256x64xf32, #tpu.memory_space<vmem>>
    %dma_wait3A_99 = tpu.memref_squeeze %dma_wait3A_98 : memref<1x256x64xf32, #tpu.memory_space<vmem>> -> memref<256x64xf32, #tpu.memory_space<vmem>>
    %dma_wait3A_100 = arith.constant 0 : i32
    %dma_wait3A_101 = arith.constant 0 : i32
    %dma_wait3A_102 = tpu.memref_slice %arg4[%dma_wait3A_95, %dma_wait3A_100, %dma_wait3A_101] : memref<200x16384x128xf32, #tpu.memory_space<hbm>> -> memref<1x256x64xf32, #tpu.memory_space<hbm>>
    %dma_wait3A_103 = tpu.memref_squeeze %dma_wait3A_102 : memref<1x256x64xf32, #tpu.memory_space<hbm>> -> memref<256x64xf32, #tpu.memory_space<hbm>>
    %dma_wait3A_104 = arith.constant 0 : i32
    %dma_wait3A_105 = arith.constant 0 : i32
    %dma_wait3A_106 = tpu.memref_slice %arg4[%dma_wait3A_95, %dma_wait3A_104, %dma_wait3A_105] : memref<200x16384x128xf32, #tpu.memory_space<hbm>> -> memref<1x256x64xf32, #tpu.memory_space<hbm>>
    %dma_wait3A_107 = tpu.memref_squeeze %dma_wait3A_106 : memref<1x256x64xf32, #tpu.memory_space<hbm>> -> memref<256x64xf32, #tpu.memory_space<hbm>>
    %dma_wait3A_108 = arith.constant 0 : i32
    %dma_wait3A_109 = arith.constant 0 : i32
    %dma_wait3A_110 = tpu.memref_slice %arg6[%dma_wait3A_94, %dma_wait3A_108, %dma_wait3A_109] : memref<4x256x64xf32, #tpu.memory_space<vmem>> -> memref<1x256x64xf32, #tpu.memory_space<vmem>>
    %dma_wait3A_111 = tpu.memref_squeeze %dma_wait3A_110 : memref<1x256x64xf32, #tpu.memory_space<vmem>> -> memref<256x64xf32, #tpu.memory_space<vmem>>
    tpu.wait_dma2 semaphore(%arg14 : memref<!tpu.dma_semaphore, #tpu.memory_space<semaphore_mem>>) src(%dma_wait3A_111 : memref<256x64xf32, #tpu.memory_space<vmem>>) dst(%dma_wait3A_107 : memref<256x64xf32, #tpu.memory_space<hbm>>)
    %dma_wait3A_112 = arith.constant 3 : i32
    %dma_wait3A_113 = arith.constant 0 : i32
    %dma_wait3A_114 = arith.constant 0 : i32
    %dma_wait3A_115 = arith.constant 0 : i32
    %dma_wait3A_116 = tpu.memref_slice %arg6[%dma_wait3A_112, %dma_wait3A_114, %dma_wait3A_115] : memref<4x256x64xf32, #tpu.memory_space<vmem>> -> memref<1x256x64xf32, #tpu.memory_space<vmem>>
    %dma_wait3A_117 = tpu.memref_squeeze %dma_wait3A_116 : memref<1x256x64xf32, #tpu.memory_space<vmem>> -> memref<256x64xf32, #tpu.memory_space<vmem>>
    %dma_wait3A_118 = arith.constant 0 : i32
    %dma_wait3A_119 = arith.constant 0 : i32
    %dma_wait3A_120 = tpu.memref_slice %arg4[%dma_wait3A_113, %dma_wait3A_118, %dma_wait3A_119] : memref<200x16384x128xf32, #tpu.memory_space<hbm>> -> memref<1x256x64xf32, #tpu.memory_space<hbm>>
    %dma_wait3A_121 = tpu.memref_squeeze %dma_wait3A_120 : memref<1x256x64xf32, #tpu.memory_space<hbm>> -> memref<256x64xf32, #tpu.memory_space<hbm>>
    %dma_wait3A_122 = arith.constant 0 : i32
    %dma_wait3A_123 = arith.constant 0 : i32
    %dma_wait3A_124 = tpu.memref_slice %arg4[%dma_wait3A_113, %dma_wait3A_122, %dma_wait3A_123] : memref<200x16384x128xf32, #tpu.memory_space<hbm>> -> memref<1x256x64xf32, #tpu.memory_space<hbm>>
    %dma_wait3A_125 = tpu.memref_squeeze %dma_wait3A_124 : memref<1x256x64xf32, #tpu.memory_space<hbm>> -> memref<256x64xf32, #tpu.memory_space<hbm>>
    %dma_wait3A_126 = arith.constant 0 : i32
    %dma_wait3A_127 = arith.constant 0 : i32
    %dma_wait3A_128 = tpu.memref_slice %arg6[%dma_wait3A_112, %dma_wait3A_126, %dma_wait3A_127] : memref<4x256x64xf32, #tpu.memory_space<vmem>> -> memref<1x256x64xf32, #tpu.memory_space<vmem>>
    %dma_wait3A_129 = tpu.memref_squeeze %dma_wait3A_128 : memref<1x256x64xf32, #tpu.memory_space<vmem>> -> memref<256x64xf32, #tpu.memory_space<vmem>>
    tpu.wait_dma2 semaphore(%arg15 : memref<!tpu.dma_semaphore, #tpu.memory_space<semaphore_mem>>) src(%dma_wait3A_129 : memref<256x64xf32, #tpu.memory_space<vmem>>) dst(%dma_wait3A_125 : memref<256x64xf32, #tpu.memory_space<hbm>>)
    return
  }
}

module attributes {stable_mosaic.version = 14 : i64} {
  func.func @_tc_body(%arg0: i32, %arg1: i32, %arg2: memref<1x1024x128xf32, #tpu.memory_space<vmem>>, %arg3: memref<1x64x1024xf32, #tpu.memory_space<vmem>>) attributes {dimension_semantics = [#tpu.dimension_semantics<parallel>, #tpu.dimension_semantics<parallel>], iteration_bounds = array<i64: 200, 16>, scalar_prefetch = 0 : i64, scratch_operands = 0 : i64, tpu.core_type = #tpu.core_type<tc>, window_params = [{transform_indices = @transform_0, window_bounds = array<i64: 1, 1024, 128>}, {transform_indices = @transform_1, window_bounds = array<i64: 1, 64, 1024>}]} {
    %get3A = arith.constant 0 : index
    %get3A_0 = arith.constant 0 : index
    %get3A_1 = arith.constant 0 : index
    %get3A_2 = vector.load %arg2[%get3A, %get3A_0, %get3A_1] : memref<1x1024x128xf32, #tpu.memory_space<vmem>>, vector<1x1024x128xf32>
    %get3A_3 = vector.shape_cast %get3A_2 : vector<1x1024x128xf32> to vector<1024x128xf32>
    %transpose3A = tpu.transpose %get3A_3, [1, 0] : vector<1024x128xf32> -> vector<128x1024xf32>
    %slice3A = vector.extract_strided_slice %transpose3A {offsets = [0, 0], sizes = [64, 1024], strides = [1, 1]} : vector<128x1024xf32> to vector<64x1024xf32>
    %abs3A = math.absf %slice3A : vector<64x1024xf32>
    %reduce_sum3A = arith.constant dense<0.000000e+00> : vector<1024xf32>
    %reduce_sum3A_4 = vector.multi_reduction <add>, %abs3A, %reduce_sum3A [0] : vector<64x1024xf32> to vector<1024xf32>
    %broadcast_in_dim3A = vector.shape_cast %reduce_sum3A_4 : vector<1024xf32> to vector<1x1024xf32>
    %gt3A = arith.constant 1.000000e+00 : f32
    %gt3A_5 = vector.broadcast %gt3A : f32 to vector<1x1024xf32>
    %gt3A_6 = arith.cmpf ogt, %broadcast_in_dim3A, %gt3A_5 : vector<1x1024xf32>
    %add3A = arith.constant 1.000000e-07 : f32
    %add3A_7 = vector.broadcast %add3A : f32 to vector<1x1024xf32>
    %add3A_8 = arith.addf %broadcast_in_dim3A, %add3A_7 : vector<1x1024xf32>
    %div3A = arith.constant 1.000000e+00 : f32
    %div3A_9 = vector.broadcast %div3A : f32 to vector<1x1024xf32>
    %div3A_10 = arith.divf %div3A_9, %add3A_8 : vector<1x1024xf32>
    %jit3A = arith.constant 1.000000e+00 : f32
    %broadcast_in_dim3A_11 = vector.broadcast %jit3A : f32 to vector<1x1024xf32>
    %select_n3A = arith.select %gt3A_6, %div3A_10, %broadcast_in_dim3A_11 : vector<1x1024xi1>, vector<1x1024xf32>
    %mul3A = vector.broadcast %select_n3A : vector<1x1024xf32> to vector<64x1024xf32>
    %mul3A_12 = arith.mulf %slice3A, %mul3A : vector<64x1024xf32>
    %swap3A = arith.constant 0 : index
    %swap3A_13 = arith.constant 0 : index
    %swap3A_14 = arith.constant 0 : index
    %swap3A_15 = vector.load %arg3[%swap3A, %swap3A_13, %swap3A_14] : memref<1x64x1024xf32, #tpu.memory_space<vmem>>, vector<1x64x1024xf32>
    %swap3A_16 = vector.shape_cast %swap3A_15 : vector<1x64x1024xf32> to vector<64x1024xf32>
    %swap3A_17 = vector.shape_cast %mul3A_12 : vector<64x1024xf32> to vector<1x64x1024xf32>
    tpu.vector_store %arg3[%swap3A, %swap3A_13, %swap3A_14], %swap3A_17 {strides = array<i32>} : memref<1x64x1024xf32, #tpu.memory_space<vmem>>, vector<1x64x1024xf32>,
    return
  }
  func.func @transform_0(%arg0: i32, %arg1: i32) -> (i32, i32, i32) {
    %c0_i32 = arith.constant 0 : i32
    %c0_i32_0 = arith.constant 0 : i32
    return %arg0, %arg1, %c0_i32 : i32, i32, i32
  }
  func.func @transform_1(%arg0: i32, %arg1: i32) -> (i32, i32, i32) {
    %c0_i32 = arith.constant 0 : i32
    %c0_i32_0 = arith.constant 0 : i32
    return %arg0, %c0_i32, %arg1 : i32, i32, i32
  }
}

</mosaic_0001>

<sc_bundles>
// kernel: kernel.4.cloned.1.call-start
scs
__scs_entry_jumppad:
0x0: {  	(pc) =	sbr.rel $0x88, $3  }
0x1: {  	(tag) =	ssettag $0x0;
	lr =	simm.s32 $0x1  }
0x2: {  	[smem:$0x3F9F] =	sst lr;
	_ =	strace $0xD0000000  }
0x3: {  	_ = 	snop  }
0x4: {  	_ = 	snop  }
0x5: {  	_ = 	snop  }
0x6: {  	_ = 	snop  }
0x7: {  	_ = 	snop  }
__scs_overlays_trampoline_lowered:
0x8: {  	[smem:$0x3FAE] =	sst s0  }
0x9: {  	[smem:$0x3FAF] =	sst s1  }
0xa: {  	[smem:$0x3FB0] =	sst s2  }
0xb: {  	[smem:$0x3FB1] =	sst s3  }
0xc: {  	[smem:$0x3FB2] =	sst s4  }
0xd: {  	[smem:$0x3FB3] =	sst s5  }
0xe: {  	[smem:$0x3FB4] =	sst s6  }
0xf: {  	[smem:$0x3FB5] =	sst s7  }
0x10: {  	[smem:$0x3FB6] =	sst s8  }
0x11: {  	[smem:$0x3FB7] =	sst s9;
	s0 =	simm.s32 @!p0 $0x0  }
0x12: {  	s1 =	sld [smem:$0x3F9D];
	s0 =	simm.s32 @p0 $0x1  }
0x13: {  	[smem:$0x3FB8] =	sst s0;
	s0 =	simm.s32 @!p1 $0x0  }
0x14: {  	s2 =	sld [smem:$0x3F9C];
	s0 =	simm.s32 @p1 $0x1  }
0x15: {  	[smem:$0x3FB9] =	sst s0;
	s0 =	simm.s32 @!p2 $0x0  }
0x16: {  	s3 =	sld [smem:$0x3FDB];
	s0 =	simm.s32 @p2 $0x1  }
0x17: {  	s4 =	simm.s32 $0x1BF5;
	[smem:$0x3FBB] =	sst s0  }
0x18: {  	s0 =	sld [smem:$0x3F9E];
	_ =	swait.ge [sflag:s4], $0x0  }
0x19: {  	s7 =	sld [smem:$0x3F9F]  }
0x1a: {  	s8 =	sadd.s32 $0xFFFFE003, lr  }
0x1b: {  	s9 =	sadd.s32 $0xFFFFFEF7, lr;
	s5 =	simm.s32 $0xFFFFFFFF;
	p2 =	slt.u32 s8, $0xFFFFF086  }
0x1c: {  	p1 =	slt.u32 s9, $0xF7A;
	s5 =	simm.s32 @!p2 $0x0  }
0x1d: {  	s5 =	simm.s32 @p1 $0x1;
	p0 =	seq.s32 s7, s2  }
0x1e: {  	s7 =	smul.u32 @!p0 $0xF7A, s2;
	p2 =	seq.s32 @!p0 s5, $0x0  }
0x1f: {  	s9 =	smul.u32 $0xF7A, s1;
	s8 =	simm.s32 @!p0 $0x1BF5;
	p2 =	por !p2, p0  }
0x20: {  	[sflag:s8] =	ssyncset.s32 @!p0 $0xFFFFF086;
	s6 =	sadd.s32 @!p0 s3, s7;
	s7 =	simm.s32 @!p0 $0x108  }
0x21: {  	s3 =	sadd.s32 s3, s9;
	s6 =	sadd.s32 @!p0 $0x88, s6;
	s7 =	simm.s32 @p2 $0x1082  }
0x22: {  	[simem:s7], [sflag:s8] =	dma.local @!p0 [hbm:s6], $0xF7A  }
0x23: {  	s9 =	sor.u32 $0xD0000000, s2;
	s6 =	simm.s32 $0x108;
	_ =	swait.ge @!p0 [sflag:s8], $0x0  }
0x24: {  	s3 =	sadd.s32 $0x88, s3;
	s6 =	simm.s32 @!p1 $0x1082;
	[sflag:s4] =	ssyncset.s32 $0xFFFFF086  }
0x25: {  	[simem:s6], [sflag:s4] =	dma.local [hbm:s3], $0xF7A  }
0x26: {  	[smem:$0x3F9F] =	sst s1;
	(tag) =	ssettag s2;
	_ =	strace s9  }
0x27: {  	s1 =	sld [smem:$0x3FAF]  }
0x28: {  	s2 =	sld [smem:$0x3FB0]  }
0x29: {  	s4 =	sld [smem:$0x3FB2]  }
0x2a: {  	p0 =	seq.s32 s5, $0x0;
	s5 =	sld [smem:$0x3FB3]  }
0x2b: {  	s6 =	sld [smem:$0x3FB4]  }
0x2c: {  	s7 =	sld [smem:$0x3FB5]  }
0x2d: {  	s3 =	simm.s32 $0x108;
	s8 =	sld [smem:$0x3FB6]  }
0x2e: {  	s3 =	simm.s32 @!p0 $0x1082;
	s9 =	sld [smem:$0x3FB7]  }
0x2f: {  	lr =	sadd.s32 s0, s3;
	s0 =	sld [smem:$0x3FAE]  }
0x30: {  	s3 =	sld [smem:$0x3FB1]  }
0x31: {  	[smem:$0x3FBA] =	sst s10  }
0x32: {  	s10 =	sld [smem:$0x3FB8];
	_ =	sdelay $0x3  }
0x33: {  	p0 =	seq.s32 s10, $0x1;
	s10 =	sld [smem:$0x3FBA];
	_ =	sdelay $0x3  }
0x34: {  	[smem:$0x3FBA] =	sst s10  }
0x35: {  	s10 =	sld [smem:$0x3FB9];
	_ =	sdelay $0x3  }
0x36: {  	p1 =	seq.s32 s10, $0x1;
	s10 =	sld [smem:$0x3FBA];
	_ =	sdelay $0x3  }
0x37: {  	[smem:$0x3FBA] =	sst s10  }
0x38: {  	s10 =	sld [smem:$0x3FBB]  }
0x39: {  	_ = 	snop;
	(pc) =	sbr.ind lr, $3  }
0x3a: {  	_ = 	snop  }
0x3b: {  	_ = 	snop  }
0x3c: {  	p2 =	seq.s32 s10, $0x1;
	s10 =	sld [smem:$0x3FBA]  }
0x3d: {  	_ =	shalt  }
0x3e: {  	_ =	shalt  }
0x3f: {  	_ =	shalt  }
0x40: {  	_ =	shalt  }
0x41: {  	_ =	shalt  }
0x42: {  	_ =	shalt  }
0x43: {  	_ =	shalt  }
0x44: {  	_ =	shalt  }
0x45: {  	_ =	shalt  }
0x46: {  	_ =	shalt  }
0x47: {  	_ =	shalt  }
0x48: {  	_ =	shalt  }
0x49: {  	_ =	shalt  }
0x4a: {  	_ =	shalt  }
0x4b: {  	_ =	shalt  }
0x4c: {  	_ =	shalt  }
0x4d: {  	_ =	shalt  }
0x4e: {  	_ =	shalt  }
0x4f: {  	_ =	shalt  }
0x50: {  	_ =	shalt  }
0x51: {  	_ =	shalt  }
0x52: {  	_ =	shalt  }
0x53: {  	_ =	shalt  }
0x54: {  	_ =	shalt  }
0x55: {  	_ =	shalt  }
0x56: {  	_ =	shalt  }
0x57: {  	_ =	shalt  }
0x58: {  	_ =	shalt  }
0x59: {  	_ =	shalt  }
0x5a: {  	_ =	shalt  }
0x5b: {  	_ =	shalt  }
0x5c: {  	_ =	shalt  }
0x5d: {  	_ =	shalt  }
0x5e: {  	_ =	shalt  }
0x5f: {  	_ =	shalt  }
0x60: {  	_ =	shalt  }
0x61: {  	_ =	shalt  }
0x62: {  	_ =	shalt  }
0x63: {  	_ =	shalt  }
0x64: {  	_ =	shalt  }
0x65: {  	_ =	shalt  }
0x66: {  	_ =	shalt  }
0x67: {  	_ =	shalt  }
0x68: {  	_ =	shalt  }
0x69: {  	_ =	shalt  }
0x6a: {  	_ =	shalt  }
0x6b: {  	_ =	shalt  }
0x6c: {  	_ =	shalt  }
0x6d: {  	_ =	shalt  }
0x6e: {  	_ =	shalt  }
0x6f: {  	_ =	shalt  }
0x70: {  	_ =	shalt  }
0x71: {  	_ =	shalt  }
0x72: {  	_ =	shalt  }
0x73: {  	_ =	shalt  }
0x74: {  	_ =	shalt  }
0x75: {  	_ =	shalt  }
0x76: {  	_ =	shalt  }
0x77: {  	_ =	shalt  }
0x78: {  	_ =	shalt  }
0x79: {  	_ =	shalt  }
0x7a: {  	_ =	shalt  }
0x7b: {  	_ =	shalt  }
0x7c: {  	_ =	shalt  }
0x7d: {  	_ =	shalt  }
0x7e: {  	_ =	shalt  }
0x7f: {  	_ =	shalt  }
0x80: {  	_ =	shalt  }
0x81: {  	_ =	shalt  }
0x82: {  	_ =	shalt  }
0x83: {  	_ =	shalt  }
0x84: {  	_ =	shalt  }
0x85: {  	_ =	shalt  }
0x86: {  	_ =	shalt  }
0x87: {  	_ =	shalt  }
.Lfunc_end0:
.L_simem_size_0:
called_computation_lowered:
.L_overlay_start_0:
0x88: {  	s2 =	sld [smem:$0x3FD9]  }
0x89: {  	s3 =	sld [smem:$0x3FFE];
	_ =	sdelay $0x1  }
0x8a: {  	s1 =	srdreg.scid  }
0x8b: {  	s0 =	sand.u32 $0x1, s1  }
0x8c: {  	s16 =	sshll.u32 s0, $0xA;
	s2 =	sadd.s32 s3, s2  }
0x8d: {  	s2 =	sadd.s32 s2, s16  }
0x8e: {  	[smem:$0x3FC6] =	sst s2  }
0x8f: {  	_ = 	snop  }
0x90: {  	(tm) =	ssettm $0x1  }
0x91: {  	s17 =	sld [smem:$0x3FFB];
	_ =	sdelay $0x3  }
0x92: {  	_ =	strace s17  }
0x93: {  	s2 =	sld [smem:$0x3FFC];
	_ =	sdelay $0x3  }
0x94: {  	_ =	strace s2  }
0x95: {  	s2 =	sld [smem:$0x3FFD];
	_ =	sdelay $0x3  }
0x96: {  	_ =	strace s2  }
0x97: {  	_ =	strace $0x8FFFFFFF  }
0x98: {  	s18 =	sld [smem:$0x3FDB];
	_ =	sdelay $0x1  }
0x99: {  	s19 =	simm.s32 $_scs_section_size  }
0x9a: {  	s4 =	simm.s32 $_size__tile_overlayer_lowered;
	s5 =	simm.s32 $_tile_overlayer_lowered  }
0x9b: {  	s22 =	simm.s32 $0x1BFF;
	s21 =	sshll.u32 s5, $0x1;
	s2 =	sadd.s32 s19, s18  }
0x9c: {  	s6 =	simm.s32 $0x0;
	s20 =	sshll.u32 s4, $0x1;
	s4 =	sadd.s32 s21, s2  }
0x9d: {  	[timem:s6], [sflag:s22] =	dma.local [hbm:s4], s20  }
0x9e: {  	_ =	swait.ge [sflag:s22], s20  }
0x9f: {  	s3 =	ssub.s32 $0x0, s20;
	[sflag:s22] =	ssyncset.done $0x0  }
0xa0: {  	[sflag:s22] =	ssyncadd.s32 s3;
	_ =	sdelay $0x1  }
0xa1: {  	s23 =	simm.s32 $0x1B8B  }
0xa2: {  	_ =	swait.ge [sflag:s23], $0x1  }
0xa3: {  	[sflag:s23] =	ssyncset.done $0x0  }
0xa4: {  	s25 =	simm.s32 $0x1B8E;
	s24 =	sld [smem:$0x3FFE];
	[sflag:s23] =	ssyncadd.s32 $0xFFFFFFFF  }
0xa5: {  	s26 =	simm.s32 $execute0_lowered;
	[smem:$0x3FD2] =	sst s25  }
0xa6: {  	s4 =	sshll.u32 s26, $0x1;
	_ =	strace $0x80000046;
	[dreg:$0x1] =	wrdreg $0xFFFFFFFF  }
0xa7: {  	s28 =	simm.s32 $_size_execute0_lowered;
	s2 =	sadd.s32 s2, s4;
	[dreg:$0x0] =	wrdreg $0x0  }
0xa8: {  	s4 =	sshll.u32 s28, $0x1;
	[dreg:$0x2] =	wrdreg s2  }
0xa9: {  	[dreg:$0x3] =	wrdreg s4  }
0xaa: {  	[dreg:$0x4] =	wrdreg $0xC0  }
0xab: {  	_ =	task [dreg:s6], $0x5FFFF  }
0xac: {  	[dreg:$0x1] =	wrdreg $0xFFFFFFFF  }
0xad: {  	[dreg:$0x0] =	wrdreg $0x60  }
0xae: {  	[dreg:$0x2] =	wrdreg s24  }
0xaf: {  	[dreg:$0x3] =	wrdreg $0x9  }
0xb0: {  	_ =	task.clear_ibuf [dreg:s6], $0x4FFFF;
	_ =	strace $0x90000046  }
0xb1: {  	s29 =	simm.s32 $0x9;
	_ =	strace $0x80000048  }
0xb2: {  	_ =	swait.ge [sflag:s29], $0x1  }
0xb3: {  	[sflag:s29] =	ssyncadd.s32 $0xFFFFFFFF  }
0xb4: {  	_ =	strace $0x90000048  }
0xb5: {  	_ =	sfence  }
0xb6: {  	s30 =	sld [smem:$0x0];
	_ =	sdelay $0x2  }
0xb7: {  	s31 =	sshll.u32 s1, $0xD;
	s1 =	sshrl.u32 s1, $0x2  }
0xb8: {  	s3 =	sand.u32 $0x4000, s31;
	s1 =	sadd.s32 s1, s30  }
0xb9: {  	s0 =	sor.u32 s3, s0;
	s1 =	sshll.u32 s1, $0x11  }
0xba: {  	s0 =	sor.u32 s1, s0  }
0xbb: {  	s0 =	sadd.s32 $0x8F2B, s0  }
0xbc: {  	[sflag:s0] =	ssyncadd.remote.s32 $0x1  }
0xbd: {  	_ =	sfence.sel $0xFFFF  }
0xbe: {  	[dreg:$0x0] =	wrdreg $0xFFFFFFFF;
	(pc) =	sbr.abs _section_cstart, $3  }
0xbf: {  	[dreg:$0x1] =	wrdreg $0xFFFFFFFF  }
0xc0: {  	_ =	task.clear_ibuf [dreg:s6], $0x2FFFF;
	_ =	strace $0x9FFFFFFF  }
0xc1: {  	(tm) =	ssettm $0x7FFFFFFF  }
tec
execute0_lowered:
.L_overlay_start_1:
0x0: {  	(tag) =	ssettag $0x1  }
0x1: {  	s0 =	rddreg [dreg:$0x0];
	s1 =	simm.s32 $0x0;
	s25 =	srdreg.scid  }
0x2: {  	s8 =	stileid.u32;
	s12 =	simm.s32 $0x4000;
	s14 =	simm.s32 $0x80  }
0x3: {  	s15 =	simm.s32 $0x2000;
	s17 =	simm.s32 $0x6000;
	s20 =	simm.s32 $0x2  }
0x4: {  	s21 =	simm.s32 $0x40;
	s22 =	simm.s32 $0x1;
	s23 =	simm.s32 $0xA000  }
0x5: {  	s24 =	simm.s32 $0xC000;
	s28 =	simm.s32 $0x10000;
	s29 =	simm.s32 $0x4  }
0x6: {  	s31 =	simm.s32 $0x6;
	[smem:$0x7FF] =	sst s1;
	s3 =	sadd.s32 $0x400, s0  }
0x7: {  	s4 =	sadd.s32 $0x64400, s0;
	s1 =	sand.u32 $0x1, s25;
	s5 =	sshll.u32 s8, $0xA  }
0x8: {  	s0 =	sadd.s32 $0x805600, s0;
	s30 =	sshll.u32 s8, $0xE;
	s25 =	simm.s32 $0x3  }
0x9: {  	_ =	strace $0x80000047;
	s2 =	ssub.s32 $0x2, s1;
	s6 =	sshll.u32 s1, $0x9  }
0xa: {  	s1 =	sshll.u32 s1, $0xD;
	s7 =	sshrl.u32 s2, $0x1;
	s5 =	sor.u32 s6, s5  }
.Ltmp0:
0xb: {  	s6 =	sshrl.u32 s5, $0x3;
	s26 =	sshll.u32 s5, $0x4;
	(pc) =	sbr.rel .LBB2_1-.Ltmp0, $4  }
0xc: {  	s2 =	ssub.s32 s2, s7;
	s6 =	sadd.s32 s3, s6;
	s7 =	sadd.s32 s0, s26  }
0xd: {  	s0 =	sadd.s32 s30, s0;
	s2 =	smax.u32 s2, $0x1;
	[dreg:$0x2] =	wrdreg s6  }
0xe: {  	s26 =	simm.s32 $0xE000;
	s8 =	sadd.s32 $0x1000, s7;
	[dreg:$0x3] =	wrdreg s2  }
0xf: {  	s10 =	sadd.s32 s1, s0;
	s0 =	simm.s32 $0x5;
	s6 =	simm.s32 $0x0  }
.LBB2_13:
0x10: {  	_ =	swait.ge [sflag:s31], $0x4000  }
0x11: {  	[sflag:s31] =	ssyncset.done $0x0  }
0x12: {  	s1 =	simm.s32 $0x7;
	[sflag:s31] =	ssyncadd.s32 $0xFFFFC000  }
0x13: {  	_ =	swait.ge [sflag:s1], $0x4000  }
0x14: {  	[sflag:s1] =	ssyncset.done $0x0  }
0x15: {  	s19 =	simm.s32 $0x8;
	[sflag:s1] =	ssyncadd.s32 $0xFFFFC000  }
0x16: {  	_ =	swait.ge [sflag:s19], $0x4000  }
0x17: {  	[sflag:s19] =	ssyncset.done $0x0  }
0x18: {  	s2 =	simm.s32 $0x9;
	[sflag:s19] =	ssyncadd.s32 $0xFFFFC000  }
0x19: {  	_ =	swait.ge [sflag:s2], $0x4000  }
0x1a: {  	s6 =	rddreg [dreg:$0x4]  }
0x1b: {  	s30 =	rddreg [dreg:$0x3];
	s6 =	sadd.s32 $0x1, s6  }
0x1c: {  	p0 =	sne.s32 s6, s30  }
.Ltmp1:
0x1d: {  	_ = 	snop;
	(pc) =	sbr.rel @!p0 .LBB2_14-.Ltmp1, $3  }
0x1e: {  	_ =	sdelay $0x1  }
0x1f: {  	[sflag:s2] =	ssyncset.done $0x0  }
0x20: {  	[sflag:s2] =	ssyncadd.s32 $0xFFFFC000  }
.LBB2_1:
0x21: {  	[dreg:$0x4] =	wrdreg s6;
	s1 =	simm.s32 $0x0  }
0x22: {  	s2 =	rddreg [dreg:$0x2];
	s13 =	simm.s32 $0x200;
	s16 =	simm.s32 $0xA  }
0x23: {  	[tilespmem:s1], [sflag:$0xA] =	stream.strided.gather [hbm4b:s2+s13], $0x1000, s12, s13, $0x38;
	[tilespmem:$0x12000] =	vst v63  }
0x24: {  	_ =	swait.ge [sflag:s16], $0x1000  }
0x25: {  	[sflag:s16] =	ssyncset.done $0x0  }
0x26: {  	[sflag:s16] =	ssyncadd.s32 $0xFFFFF000  }
0x27: {  	[tilespmem:s15], [sflag:$0x2] =	stream.indirect.gather [hbm4b:s4+s14], $0x40, s1, s14, $0xb8;
	[tilespmem:$0x12000] =	vst v63  }
0x28: {  	s18 =	simm.s32 $0x100;
	s19 =	simm.s32 $0x180  }
0x29: {  	[tilespmem:s12], [sflag:$0x2] =	stream.indirect.gather [hbm4b:s4+s14], $0x40, s14, s14, $0xb8;
	[tilespmem:$0x12000] =	vst v63  }
0x2a: {  	s30 =	simm.s32 $0x8000;
	s6 =	simm.s32 $0x1400;
	s9 =	simm.s32 $0x1  }
0x2b: {  	[tilespmem:s17], [sflag:$0x3] =	stream.indirect.gather [hbm4b:s4+s14], $0x40, s18, s14, $0xb8;
	[tilespmem:$0x12000] =	vst v63  }
0x2c: {  	s13 =	simm.s32 $0x5;
	s2 =	simm.s32 $0x0;
	s1 =	simm.s32 $0x60000  }
0x2d: {  	[tilespmem:s30], [sflag:$0x3] =	stream.indirect.gather [hbm4b:s4+s14], $0x40, s19, s14, $0xb8;
	[tilespmem:$0x12000] =	vst v63  }
.LBB2_2:
0x2e: {  	_ =	swait.ge [sflag:s20], $0x2000  }
0x2f: {  	[sflag:s20] =	ssyncset.done $0x0  }
0x30: {  	p1 =	seq.s32 s1, $0x60000;
	[sflag:s20] =	ssyncadd.s32 $0xFFFFE000  }
0x31: {  	s30 =	sand.u32 @!p1 $0x4, s2;
	_ =	swait.ge [sflag:s20], $0x2000  }
0x32: {  	s16 =	sadd.s32 $0xFFFA0000, s1;
	p0 =	sne.s32 @!p1 s30, $0x0;
	[sflag:s20] =	ssyncset.done $0x0  }
0x33: {  	s18 =	sadd.s32 s10, s16;
	p0 =	por p1, !p0;
	[sflag:s20] =	ssyncadd.s32 $0xFFFFE000  }
0x34: {  	[hbm4b:s18+s21] =	stream.strided.scatter [tilespmem:s15], [sflag:$0x6], $0x4000, s14, s21, $0x38;
	[tilespmem:$0x12000] =	vst v63  }
.Ltmp2:
0x35: {  	_ = 	snop;
	(pc) =	sbr.rel @!p0 .LBB2_4-.Ltmp2, $4  }
0x36: {  	s18 =	simm.s32 @!p1 $0x8  }
0x37: {  	_ =	swait.ge @!p1 [sflag:s18], $0x4000  }
0x38: {  	[sflag:s18] =	ssyncset.done @!p1 $0x0  }
0x39: {  	[sflag:s18] =	ssyncadd.s32 @!p1 $0xFFFFC000;
	s18 =	sand.u32 @!p1 $0x7, s9  }
.Ltmp3:
0x3a: {  	(pc) =	sbr.rel .LBB2_5-.Ltmp3, $4  }
0x3b: {  	s18 =	simm.s32 @p1 $0x1  }
0x3c: {  	s18 =	sshll.u32 s18, $0x9  }
0x3d: {  	[tilespmem:s23], [sflag:$0x4] =	stream.indirect.gather [hbm4b:s4+s14], $0x40, s18, s14, $0xb8;
	[tilespmem:$0x12000] =	vst v63  }
0x3e: {  	p0 =	por $0x1, $0x1;
	s18 =	sor.u32 $0x80, s18  }
.LBB2_4:
0x3f: {  	s18 =	sshll.u32 s18, $0x9  }
0x40: {  	p0 =	por $0x0, $0x0;
	s30 =	sor.u32 $0x1000, s18;
	s18 =	sor.u32 $0x1080, s18  }
0x41: {  	[tilespmem:s23], [sflag:$0x4] =	stream.indirect.gather [hbm4b:s4+s14], $0x40, s30, s14, $0xb8;
	[tilespmem:$0x12000] =	vst v63  }
.LBB2_5:
0x42: {  	[tilespmem:s24], [sflag:$0x4] =	stream.indirect.gather [hbm4b:s4+s14], $0x40, s18, s14, $0xb8;
	[tilespmem:$0x12000] =	vst v63  }
0x43: {  	_ =	swait.ge [sflag:s25], $0x2000  }
0x44: {  	[sflag:s25] =	ssyncset.done $0x0  }
0x45: {  	[sflag:s25] =	ssyncadd.s32 $0xFFFFE000  }
0x46: {  	_ =	swait.ge [sflag:s25], $0x2000  }
0x47: {  	s11 =	sadd.s32 s1, s10;
	s30 =	sadd.s32 $0xFFFFF800, s6;
	[sflag:s25] =	ssyncset.done $0x0  }
0x48: {  	s19 =	simm.s32 $0x180;
	s18 =	sadd.s32 $0xFFFA1000, s11;
	[sflag:s25] =	ssyncadd.s32 $0xFFFFE000  }
0x49: {  	[hbm4b:s18+s21] =	stream.strided.scatter [tilespmem:s17], [sflag:$0x7], $0x4000, s14, s21, $0x38;
	[tilespmem:$0x12000] =	vst v63  }
0x4a: {  	s30 =	sand.u32 $0x3800, s30;
	s11 =	simm.s32 $0x100;
	s18 =	simm.s32 @!p1 $0x9  }
0x4b: {  	s30 =	sshrl.u32 s30, $0x2;
	s11 =	simm.s32 @!p0 $0x1100;
	_ =	swait.ge @!p1 [sflag:s18], $0x4000  }
0x4c: {  	s19 =	simm.s32 @!p0 $0x1180;
	s11 =	sor.u32 s11, s30;
	[sflag:s18] =	ssyncset.done @!p1 $0x0  }
0x4d: {  	[sflag:s18] =	ssyncadd.s32 @!p1 $0xFFFFC000;
	s18 =	sor.u32 s19, s30;
	s19 =	sadd.s32 $0xFFFFFFFD, s13  }
0x4e: {  	[tilespmem:s26], [sflag:$0x5] =	stream.indirect.gather [hbm4b:s4+s14], $0x40, s11, s14, $0xb8;
	[tilespmem:$0x12000] =	vst v63  }
0x4f: {  	p1 =	sgt.u32 s2, $0x5F;
	s30 =	sand.u32 $0xE, s19  }
0x50: {  	[tilespmem:s28], [sflag:$0x5] =	stream.indirect.gather [hbm4b:s4+s14], $0x40, s18, s14, $0xb8;
	[tilespmem:$0x12000] =	vst v63  }
0x51: {  	p2 =	sne.s32 @!p1 s30, $0x6;
	_ =	swait.ge [sflag:s29], $0x2000  }
0x52: {  	p2 =	por p1, p2;
	[sflag:s29] =	ssyncset.done $0x0  }
.Ltmp4:
0x53: {  	s18 =	sshrl.u32 s2, $0x2;
	[sflag:s29] =	ssyncadd.s32 $0xFFFFE000;
	(pc) =	sbr.rel @p2 .LBB2_8-.Ltmp4, $4  }
0x54: {  	s11 =	sshll.u32 s18, $0x15;
	_ =	swait.ge [sflag:s29], $0x2000  }
0x55: {  	s19 =	sshll.u32 s30, $0x11;
	s11 =	sadd.s32 s11, s7;
	[sflag:s29] =	ssyncset.done $0x0  }
0x56: {  	s11 =	sadd.s32 s19, s11;
	[sflag:s29] =	ssyncadd.s32 $0xFFFFE000  }
0x57: {  	[hbm4b:s11+s21] =	stream.strided.scatter [tilespmem:s23], [sflag:$0x8], $0x4000, s14, s21, $0x38;
	[tilespmem:$0x12000] =	vst v63  }
0x58: {  	s11 =	sadd.s32 $0x1, s18  }
0x59: {  	s18 =	sshll.u32 s11, $0x11;
	s11 =	sand.u32 $0x1, s11  }
0x5a: {  	p1 =	seq.s32 s11, $0x1  }
0x5b: {  	p0 =	por p1, p0  }
.Ltmp5:
0x5c: {  	_ = 	snop;
	(pc) =	sbr.rel @!p0 .LBB2_11-.Ltmp5, $4  }
0x5d: {  	s18 =	sor.u32 s5, s18  }
0x5e: {  	s18 =	sshrl.u32 s18, $0x3;
	s11 =	simm.s32 @!p1 $0x200  }
0x5f: {  	s19 =	simm.s32 @!p1 $0x4000;
	s30 =	simm.s32 @!p1 $0x0;
	s18 =	sadd.s32 s3, s18  }
0x60: {  	[tilespmem:s30], [sflag:$0x1] =	stream.strided.gather @!p1 [hbm4b:s18+s11], $0x1000, s19, s11, $0x38;
	[tilespmem:$0x12000] =	vst v63  }
.Ltmp6:
0x61: {  	(pc) =	sbr.rel .LBB2_11-.Ltmp6, $3  }
0x62: {  	_ =	sdelay $0x1  }
0x63: {  	s11 =	simm.s32 $0x200;
	s19 =	simm.s32 $0x1000  }
0x64: {  	[tilespmem:s19], [sflag:$0x1] =	stream.strided.gather [hbm4b:s18+s11], $0x1000, s12, s11, $0x38;
	[tilespmem:$0x12000] =	vst v63  }
.LBB2_8:
0x65: {  	p0 =	sne.s32 @!p1 s30, $0xE  }
0x66: {  	p0 =	por p1, p0  }
.Ltmp7:
0x67: {  	_ = 	snop;
	(pc) =	sbr.rel @p0 .LBB2_10-.Ltmp7, $1  }
0x68: {  	_ =	sdelay $0x3  }
0x69: {  	_ =	swait.ge [sflag:s22], $0x1000  }
0x6a: {  	[sflag:s22] =	ssyncset.done $0x0  }
0x6b: {  	[sflag:s22] =	ssyncadd.s32 $0xFFFFF000  }
.LBB2_11:
0x6c: {  	s11 =	sadd.s32 $0xFFFFFFFF, s13  }
0x6d: {  	_ =	swait.ge [sflag:s31], $0x4000;
	s18 =	sadd.s32 $0xFFFFFC00, s6;
	s19 =	simm.s32 $0x80  }
0x6e: {  	s11 =	sand.u32 $0x10, s11;
	[sflag:s31] =	ssyncset.done $0x0;
	s18 =	sand.u32 $0x3000, s18  }
0x6f: {  	p0 =	seq.s32 s11, $0x0;
	s18 =	sshrl.u32 s18, $0x2;
	s11 =	sshll.u32 s11, $0x8  }
0x70: {  	[sflag:s31] =	ssyncadd.s32 $0xFFFFC000;
	s11 =	sor.u32 s11, s18;
	s19 =	simm.s32 @!p0 $0x1080  }
0x71: {  	[tilespmem:s15], [sflag:$0x2] =	stream.indirect.gather [hbm4b:s4+s14], $0x40, s11, s14, $0xb8;
	[tilespmem:$0x12000] =	vst v63  }
0x72: {  	p0 =	por $0x0, $0x0;
	s30 =	sor.u32 s19, s18  }
0x73: {  	[tilespmem:s12], [sflag:$0x2] =	stream.indirect.gather [hbm4b:s4+s14], $0x40, s30, s14, $0xb8;
	[tilespmem:$0x12000] =	vst v63  }
.LBB2_12:
0x74: {  	_ =	swait.ge [sflag:s0], $0x2000  }
0x75: {  	[sflag:s0] =	ssyncset.done $0x0  }
0x76: {  	[sflag:s0] =	ssyncadd.s32 $0xFFFFE000  }
0x77: {  	s11 =	sand.u32 $0x3E00000, s16;
	s30 =	sand.u32 $0x1C0000, s1;
	_ =	swait.ge [sflag:s0], $0x2000  }
0x78: {  	s11 =	sor.u32 s30, s11;
	[sflag:s0] =	ssyncset.done $0x0  }
0x79: {  	s11 =	sadd.s32 s11, s8;
	[sflag:s0] =	ssyncadd.s32 $0xFFFFE000  }
0x7a: {  	[hbm4b:s11+s21] =	stream.strided.scatter [tilespmem:s26], [sflag:$0x9], $0x4000, s14, s21, $0x38;
	[tilespmem:$0x12000] =	vst v63  }
0x7b: {  	s11 =	simm.s32 @!p0 $0x7  }
0x7c: {  	s16 =	sand.u32 @!p0 $0x10, s13;
	s18 =	simm.s32 @!p0 $0x180;
	_ =	swait.ge @!p0 [sflag:s11], $0x4000  }
0x7d: {  	p1 =	seq.s32 @!p0 s16, $0x0;
	s16 =	simm.s32 @!p0 $0x100;
	[sflag:s11] =	ssyncset.done @!p0 $0x0  }
0x7e: {  	p1 =	por !p1, p0;
	[sflag:s11] =	ssyncadd.s32 @!p0 $0xFFFFC000;
	s11 =	sshrl.u32 @!p0 s6, $0x2  }
0x7f: {  	s19 =	simm.s32 @!p0 $0x80;
	s16 =	simm.s32 @p1 $0x1100;
	s11 =	sand.u32 @!p0 $0xC00, s11  }
0x80: {  	s30 =	simm.s32 @!p0 $0x6000;
	s18 =	simm.s32 @p1 $0x1180;
	s16 =	sor.u32 @!p0 s16, s11  }
0x81: {  	[tilespmem:s30], [sflag:$0x3] =	stream.indirect.gather @!p0 [hbm4b:s4+s19], $0x40, s16, s19, $0xb8;
	[tilespmem:$0x12000] =	vst v63  }
0x82: {  	s1 =	sadd.s32 $0x80000, s1;
	s11 =	sor.u32 @!p0 s18, s11;
	s16 =	simm.s32 @!p0 $0x8000  }
0x83: {  	[tilespmem:s16], [sflag:$0x3] =	stream.indirect.gather @!p0 [hbm4b:s4+s19], $0x40, s11, s19, $0xb8;
	[tilespmem:$0x12000] =	vst v63  }
0x84: {  	p0 =	sne.s32 s1, $0x3260000  }
.Ltmp8:
0x85: {  	_ = 	snop;
	(pc) =	sbr.rel @p0 .LBB2_2-.Ltmp8, $4  }
.Ltmp9:
0x86: {  	_ = 	snop;
	(pc) =	sbr.rel @!p0 .LBB2_13-.Ltmp9, $4  }
0x87: {  	_ = 	snop  }
0x88: {  	s2 =	sadd.s32 $0x1, s2  }
0x89: {  	s13 =	sadd.s32 $0x4, s13;
	s9 =	sadd.s32 $0x2, s9;
	s6 =	sadd.s32 $0x1000, s6  }
0x8a: {  	_ = 	snop  }
.LBB2_10:
0x8b: {  	p1 =	seq.s32 s1, $0x31E0000  }
.Ltmp10:
0x8c: {  	_ = 	snop;
	(pc) =	sbr.rel @p1 .LBB2_12-.Ltmp10, $4  }
.Ltmp11:
0x8d: {  	_ = 	snop;
	(pc) =	sbr.rel @!p1 .LBB2_11-.Ltmp11, $4  }
0x8e: {  	_ = 	snop  }
0x8f: {  	_ = 	snop  }
0x90: {  	p0 =	por $0x1, $0x1  }
0x91: {  	_ = 	snop  }
.LBB2_14:
0x92: {  	_ =	sfence.sel $0x180000  }
0x93: {  	[bflag:$0x0] =	sbarrier.arrive $0xFFFF  }
0x94: {  	_ =	strace $0x90000047  }
0x95: {  	s0 =	stileid.u32;
	[bflag:$0x2] =	sbarrier.arrive $0xFFFF  }
0x96: {  	p0 =	sne.s32 s0, $0x0;
	s0 =	rddreg [dreg:$0x1]  }
0x97: {  	s0 =	sadd.s32 @!p0 $0x100000, s0  }
0x98: {  	[sflag:s0] =	ssyncadd.tile.s32 @!p0 $0x1;
	_ =	shalt  }
.Lfunc_end2:
_tile_overlayer_lowered:
.L_overlay_start_2:
0x99: {  	(tag) =	ssettag $0x2  }
0x9a: {  	s0 =	rddreg [dreg:$0x0];
	s2 =	stileid.u32  }
0x9b: {  	s1 =	rddreg [dreg:$0x1];
	p0 =	sne.s32 s2, $0x0  }
0x9c: {  	s3 =	rddreg [dreg:$0x2];
	[bflag:$0x3] =	sbarrier.arrive $0xFFFF;
	s2 =	simm.s32 @!p0 $0x1C0A  }
0x9d: {  	[timem:s3], [sflag:s2] =	dma.local @!p0 [hbm:s0], s1  }
0x9e: {  	s0 =	simm.s32 @!p0 $0xA  }
0x9f: {  	_ =	swait.ge @!p0 [sflag:s0], s1  }
0xa0: {  	s1 =	ssub.s32 @!p0 $0x0, s1;
	[sflag:s0] =	ssyncset.done @!p0 $0x0  }
0xa1: {  	[sflag:s0] =	ssyncadd.s32 @!p0 s1  }
0xa2: {  	[bflag:$0x3] =	sbarrier.arrive $0xFFFF  }
0xa3: {  	_ =	shalt  }

</sc_bundles>
